<compile_context>
chip_gen: v7x
topology: tpu7x:2x2x1
jax: 0.10.2.dev20260603
libtpu: 0.0.44.dev20260713+nightly
codegen_flags: <defaults>
</compile_context>

<pallas_src>
import dataclasses
import functools

import jax
import jax.numpy as jnp
from jax import lax
from jax.experimental import pallas as pl
from jax.experimental.pallas import tpu as pltpu
from jax.experimental.pallas import tpu_sc as plsc

B = 16384
F = 18
V = 1000000
EMB = 16
DE = 256
BF = B * F

NC = 2
NS = 16
NW = NC * NS
B_PER_W = BF // NW
CHUNK = 128

def _sc_gather(emb128, fw1d, idx):
    mesh = plsc.VectorSubcoreMesh(core_axis_name="c", subcore_axis_name="s")
    cp = pltpu.CompilerParams()
    if "needs_layout_passes" in pltpu.CompilerParams.__dataclass_fields__:
        cp = dataclasses.replace(cp, needs_layout_passes=False)

    @functools.partial(
        pl.kernel,
        compiler_params=cp,
        out_type=(
            jax.ShapeDtypeStruct((BF // 8, 128), jnp.float32),
            jax.ShapeDtypeStruct((BF,), jnp.float32),
        ),
        mesh=mesh,
        scratch_types=[
            pltpu.VMEM((B_PER_W // 128, 128), jnp.int32),
            pltpu.VMEM((CHUNK,), jnp.int32),
            pltpu.VMEM((CHUNK,), jnp.int32),
            pltpu.VMEM((CHUNK,), jnp.int32),
            pltpu.VMEM((CHUNK, 128), jnp.float32),
            pltpu.VMEM((CHUNK // 8, 128), jnp.float32),
            pltpu.VMEM((CHUNK,), jnp.float32),
            pltpu.SemaphoreType.DMA,
            pltpu.SemaphoreType.DMA,
        ],
    )
    def k(emb_hbm, fw_hbm, idx_hbm,
          emb_out, fw_out,
          idx_v, idxc_v, erow_v, elane_v, ebuf, e2, fv,
          sem_e, sem_f):
        wid = lax.axis_index("s") * NC + lax.axis_index("c")
        base = wid * B_PER_W
        rpw = B_PER_W // 128
        pltpu.sync_copy(idx_hbm.at[pl.ds(wid * rpw, rpw)], idx_v)

        @pl.loop(0, B_PER_W, step=CHUNK)
        def _(c):
            @pl.loop(0, CHUNK, step=16)
            def _(g):
                ix = idx_v[c // 128, pl.ds(g, 16)]
                idxc_v[pl.ds(g, 16)] = ix
                erow_v[pl.ds(g, 16)] = lax.shift_right_logical(ix, 3)
                elane_v[pl.ds(g, 16)] = lax.bitwise_and(ix, 7) * EMB

            cp_e = pltpu.async_copy(emb_hbm.at[erow_v], ebuf, sem_e)
            cp_f = pltpu.async_copy(fw_hbm.at[idxc_v], fv, sem_f)
            cp_e.wait()

            @pl.loop(0, CHUNK, step=16)
            def _(c16):
                lbv = elane_v[pl.ds(c16, 16)]
                for j in range(16):
                    e2.at[c16 // 8 + j // 8,
                          pl.ds((j % 8) * EMB, EMB)][...] = (
                        ebuf.at[c16 + j, pl.ds(lbv[j], EMB)][...])

            cp_f.wait()
            orow = pl.multiple_of((base + c) // 8, 8)
            pltpu.sync_copy(e2, emb_out.at[pl.ds(orow, CHUNK // 8)])
            pltpu.sync_copy(fv, fw_out.at[pl.ds(base + c, CHUNK)])

    return k(emb128, fw1d, idx)


BLK = 1024


def _tc_body(emb_ref, val_ref, fw_ref, fb_ref,
             w1_ref, b1_ref, w2_ref, b2_ref, w3_ref, b3_ref,
             g1_ref, be1_ref, m1_ref, v1_ref,
             g2_ref, be2_ref, m2_ref, v2_ref,
             g3_ref, be3_ref, m3_ref, v3_ref,
             out_ref):
    emb = emb_ref[...]
    val = val_ref[...]
    fw = fw_ref[...]

    col_f = lax.broadcasted_iota(jnp.int32, (F, F * EMB), 1) // EMB
    row_f = lax.broadcasted_iota(jnp.int32, (F, F * EMB), 0)
    E = (col_f == row_f).astype(jnp.float32)

    vexp = jnp.dot(val, E, preferred_element_type=jnp.float32)
    sw = vexp * emb

    Gt = E.T
    s1 = jnp.dot(sw, Gt, preferred_element_type=jnp.float32)
    s2 = jnp.dot(sw * sw, Gt, preferred_element_type=jnp.float32)
    second = 0.5 * jnp.sum(s1 * s1 - s2, axis=1, keepdims=True)

    first = jnp.sum(fw * val, axis=1, keepdims=True) + fb_ref[0, 0]

    def bn(x, g_ref, be_ref, m_ref, v_ref):
        return (x - m_ref[...]) * lax.rsqrt(v_ref[...] + 1e-3) * g_ref[...] + be_ref[...]

    a = jnp.dot(sw, w1_ref[...], preferred_element_type=jnp.float32) + b1_ref[...]
    a = jnp.maximum(bn(a, g1_ref, be1_ref, m1_ref, v1_ref), 0.0)
    a = jnp.dot(a, w2_ref[...], preferred_element_type=jnp.float32) + b2_ref[...]
    a = jnp.maximum(bn(a, g2_ref, be2_ref, m2_ref, v2_ref), 0.0)
    a = jnp.dot(a, w3_ref[...], preferred_element_type=jnp.float32) + b3_ref[...]
    a = bn(a, g3_ref, be3_ref, m3_ref, v3_ref)

    out_ref[:, 0:1] = first
    out_ref[:, 1:2] = second
    out_ref[:, 2:] = a


def _row_spec(n_cols):
    return pl.BlockSpec((BLK, n_cols), lambda i: (i, 0))


def _full_spec(shape):
    return pl.BlockSpec(shape, lambda i: tuple(0 for _ in shape))


def kernel(feature_index, feature_value, feature_weight, first_weight, first_bias,
           dense1, bias1, dense2, bias2, dense3, bias3,
           bn1_gamma, bn1_beta, bn1_mean, bn1_var,
           bn2_gamma, bn2_beta, bn2_mean, bn2_var,
           bn3_gamma, bn3_beta, bn3_mean, bn3_var):
    idx2d = feature_index.astype(jnp.int32).reshape(BF // 128, 128)
    emb128 = feature_weight.reshape(-1).reshape(V // 8, 128)
    emb_g, fw_g = _sc_gather(emb128, first_weight, idx2d)

    emb2d = emb_g.reshape(B, F * EMB)
    fw2d = fw_g.reshape(B, F)

    row1 = lambda x: x.reshape(1, -1)
    args = (emb2d, feature_value, fw2d, first_bias.reshape(1, 1),
            dense1, row1(bias1), dense2, row1(bias2), dense3, row1(bias3),
            row1(bn1_gamma), row1(bn1_beta), row1(bn1_mean), row1(bn1_var),
            row1(bn2_gamma), row1(bn2_beta), row1(bn2_mean), row1(bn2_var),
            row1(bn3_gamma), row1(bn3_beta), row1(bn3_mean), row1(bn3_var))

    in_specs = [
        _row_spec(F * EMB), _row_spec(F), _row_spec(F), _full_spec((1, 1)),
        _full_spec((F * EMB, DE)), _full_spec((1, DE)),
        _full_spec((DE, DE // 2)), _full_spec((1, DE // 2)),
        _full_spec((DE // 2, DE // 4)), _full_spec((1, DE // 4)),
    ] + [_full_spec((1, DE))] * 4 \
      + [_full_spec((1, DE // 2))] * 4 \
      + [_full_spec((1, DE // 4))] * 4

    out = pl.pallas_call(
        _tc_body,
        grid=(B // BLK,),
        in_specs=in_specs,
        out_specs=pl.BlockSpec((BLK, 2 + DE // 4), lambda i: (i, 0)),
        out_shape=jax.ShapeDtypeStruct((B, 2 + DE // 4), jnp.float32),
    )(*args)
    return out

# --- scband reference (transcript-rebuilt; emitter-appended) ---
"""Pipeline reference for scband-deep-fm-11029476016775 (READ-ONLY COPY).

The authoritative reference and input builder live on the scoring server;
editing this copy changes nothing except your own understanding.
"""

import jax, jax.numpy as jnp
import numpy as np

B = 16384
F = 18
V = 1000000
EMB = 16
DE = 256


def _bn(x, gamma, beta, mean, var, eps=1e-3):
    return (x - mean) / jnp.sqrt(var + eps) * gamma + beta


def setup_inputs(seed: int = 0):
    key = jax.random.key(seed)
    ks = jax.random.split(key, 12)
    inp = {}
    inp["feature_index"] = jax.random.randint(ks[0], (B, F), 0, V, dtype=jnp.int32)
    inp["feature_value"] = jax.random.uniform(ks[1], (B, F), dtype=jnp.float32)
    inp["feature_weight"] = 0.05 * jax.random.normal(ks[2], (V, EMB), dtype=jnp.float32)
    inp["first_weight"] = 0.05 * jax.random.normal(ks[3], (V,), dtype=jnp.float32)
    inp["first_bias"] = 0.05 * jax.random.normal(ks[4], (1,), dtype=jnp.float32)
    inp["dense1"] = 0.05 * jax.random.normal(ks[5], (F * EMB, DE), dtype=jnp.float32)
    inp["bias1"] = 0.05 * jax.random.normal(ks[6], (DE,), dtype=jnp.float32)
    inp["dense2"] = 0.05 * jax.random.normal(ks[7], (DE, DE // 2), dtype=jnp.float32)
    inp["bias2"] = 0.05 * jax.random.normal(ks[8], (DE // 2,), dtype=jnp.float32)
    inp["dense3"] = 0.05 * jax.random.normal(ks[9], (DE // 2, DE // 4), dtype=jnp.float32)
    inp["bias3"] = 0.05 * jax.random.normal(ks[10], (DE // 4,), dtype=jnp.float32)
    for i, d in ((1, DE), (2, DE // 2), (3, DE // 4)):
        inp[f"bn{i}_gamma"] = jnp.ones((d,), dtype=jnp.float32)
        inp[f"bn{i}_beta"] = jnp.zeros((d,), dtype=jnp.float32)
        inp[f"bn{i}_mean"] = jnp.zeros((d,), dtype=jnp.float32)
        inp[f"bn{i}_var"] = jnp.ones((d,), dtype=jnp.float32)
    return inp


def reference(feature_index, feature_value, feature_weight, first_weight, first_bias,
              dense1, bias1, dense2, bias2, dense3, bias3,
              bn1_gamma, bn1_beta, bn1_mean, bn1_var,
              bn2_gamma, bn2_beta, bn2_mean, bn2_var,
              bn3_gamma, bn3_beta, bn3_mean, bn3_var):
    idx = feature_index.astype(jnp.int32)
    # first order: embedding_lookup on first_weight
    fw = jnp.take(first_weight, idx, axis=0)              # [B, F]
    first_order = jnp.sum(fw * feature_value, axis=-1) + first_bias  # [B]
    # second order: embedding_lookup on feature_weight
    sw = jnp.take(feature_weight, idx, axis=0)            # [B, F, EMB]
    sw = feature_value.reshape(-1, 18, 1) * sw
    left = jnp.square(jnp.sum(sw, axis=2))                # [B, F] (sum over emb, as in original)
    right = jnp.sum(jnp.square(sw), axis=2)               # [B, F]
    second_order = 0.5 * jnp.sum(left - right, axis=-1)   # [B]
    # deep part (dropout treated as identity / inference mode)
    deep = sw.reshape(sw.shape[0], -1)                    # [B, F*EMB]
    a1 = jax.nn.relu(_bn(deep @ dense1 + bias1, bn1_gamma, bn1_beta, bn1_mean, bn1_var))
    a2 = jax.nn.relu(_bn(a1 @ dense2 + bias2, bn2_gamma, bn2_beta, bn2_mean, bn2_var))
    a3 = _bn(a2 @ dense3 + bias3, bn3_gamma, bn3_beta, bn3_mean, bn3_var)  # linear activation
    concat = jnp.stack([first_order, second_order], axis=-1)  # [B, 2]
    concat_order = jnp.concatenate([concat, a3], axis=-1)     # [B, 2 + DE//4]
    return concat_order

if __name__ == "__main__":
    import jax
    _d = setup_inputs()
    print(jax.jit(kernel)(*tuple(_d.values())))

</pallas_src>

<mosaic_0001>
#map = affine_map<(d0, d1) -> (0, 0)>
#map1 = affine_map<(d0, d1) -> (0)>
module attributes {stable_mosaic.version = 14 : i64} {
  func.func @k(%arg0: i32, %arg1: i32, %arg2: memref<125000x128xf32, #tpu.memory_space<hbm>>, %arg3: memref<1000000xf32, #tpu.memory_space<hbm>>, %arg4: memref<2304x128xi32, #tpu.memory_space<hbm>>, %arg5: memref<36864x128xf32, #tpu.memory_space<hbm>>, %arg6: memref<294912xf32, #tpu.memory_space<hbm>>, %arg7: memref<72x128xi32, #tpu.memory_space<vmem>>, %arg8: memref<128xi32, #tpu.memory_space<vmem>>, %arg9: memref<128xi32, #tpu.memory_space<vmem>>, %arg10: memref<128xi32, #tpu.memory_space<vmem>>, %arg11: memref<128x128xf32, #tpu.memory_space<vmem>>, %arg12: memref<16x128xf32, #tpu.memory_space<vmem>>, %arg13: memref<128xf32, #tpu.memory_space<vmem>>, %arg14: memref<!tpu.dma_semaphore, #tpu.memory_space<semaphore_mem>>, %arg15: memref<!tpu.dma_semaphore, #tpu.memory_space<semaphore_mem>>) attributes {dimension_semantics = [#tpu.dimension_semantics<core_parallel>, #tpu.dimension_semantics<subcore_parallel>], iteration_bounds = array<i64: 2, 16>, scalar_prefetch = 0 : i64, scratch_operands = 9 : i64, tpu.core_type = #tpu.core_type<sc_vector_subcore>, window_params = [{transform_indices = #map}, {transform_indices = #map1}, {transform_indices = #map}, {transform_indices = #map}, {transform_indices = #map1}]} {
    %mul3A = arith.constant 2 : i32
    %mul3A_0 = arith.muli %arg1, %mul3A : i32
    %add3A = arith.addi %mul3A_0, %arg0 : i32
    %mul3A_1 = arith.constant 9216 : i32
    %mul3A_2 = arith.muli %add3A, %mul3A_1 : i32
    %mul3A_3 = arith.constant 72 : i32
    %mul3A_4 = arith.muli %add3A, %mul3A_3 : i32
    "tpu.region"() ({
      %run_scoped3A = tpu.sem_alloc : memref<!tpu.dma_semaphore, #tpu.memory_space<semaphore_mem>>
      %dma_start3A = arith.constant 0 : i32
      %dma_start3A_9 = tpu.memref_slice %arg4[%mul3A_4, %dma_start3A] : memref<2304x128xi32, #tpu.memory_space<hbm>> -> memref<72x128xi32, #tpu.memory_space<hbm>>
      %dma_start3A_10 = arith.constant 0 : i32
      %dma_start3A_11 = tpu.memref_slice %arg4[%mul3A_4, %dma_start3A_10] : memref<2304x128xi32, #tpu.memory_space<hbm>> -> memref<72x128xi32, #tpu.memory_space<hbm>>
      tpu.enqueue_dma source(%dma_start3A_11 : memref<72x128xi32, #tpu.memory_space<hbm>>) target(%arg7 : memref<72x128xi32, #tpu.memory_space<vmem>>) target_semaphore(%run_scoped3A : memref<!tpu.dma_semaphore, #tpu.memory_space<semaphore_mem>>)
      %dma_wait3A = arith.constant 0 : i32
      %dma_wait3A_12 = tpu.memref_slice %arg4[%mul3A_4, %dma_wait3A] : memref<2304x128xi32, #tpu.memory_space<hbm>> -> memref<72x128xi32, #tpu.memory_space<hbm>>
      %dma_wait3A_13 = arith.constant 0 : i32
      %dma_wait3A_14 = tpu.memref_slice %arg4[%mul3A_4, %dma_wait3A_13] : memref<2304x128xi32, #tpu.memory_space<hbm>> -> memref<72x128xi32, #tpu.memory_space<hbm>>
      tpu.wait_dma2 semaphore(%run_scoped3A : memref<!tpu.dma_semaphore, #tpu.memory_space<semaphore_mem>>) src(%dma_wait3A_14 : memref<72x128xi32, #tpu.memory_space<hbm>>) dst(%arg7 : memref<72x128xi32, #tpu.memory_space<vmem>>)
      tpu.yield
    }) : () -> ()
    %scan3A = arith.constant 0 : i32
    %scan3A_5 = arith.constant 72 : i32
    %scan3A_6 = arith.addi %scan3A, %scan3A_5 : i32
    %scan3A_7 = arith.constant 1 : i32
    scf.for %scan3A_9 = %scan3A to %scan3A_6 step %scan3A_7  : i32 {
      %mul3A_10 = arith.constant 128 : i32
      %mul3A_11 = arith.muli %scan3A_9, %mul3A_10 : i32
      %add3A_12 = arith.constant 0 : i32
      %add3A_13 = arith.addi %add3A_12, %mul3A_11 : i32
      %scan3A_14 = arith.constant 0 : i32
      %scan3A_15 = arith.constant 8 : i32
      %scan3A_16 = arith.addi %scan3A_14, %scan3A_15 : i32
      %scan3A_17 = arith.constant 1 : i32
      scf.for %scan3A_50 = %scan3A_14 to %scan3A_16 step %scan3A_17  : i32 {
        %mul3A_51 = arith.constant 16 : i32
        %mul3A_52 = arith.muli %scan3A_50, %mul3A_51 : i32
        %add3A_53 = arith.constant 0 : i32
        %add3A_54 = arith.addi %add3A_53, %mul3A_52 : i32
        %jit3A_55 = arith.constant 128 : i32
        %div3A_56 = arith.divsi %add3A_13, %jit3A_55 : i32
        %sign3A_57 = arith.constant 0 : i32
        %sign3A_58 = arith.cmpi sgt, %add3A_13, %sign3A_57 : i32
        %sign3A_59 = arith.extui %sign3A_58 : i1 to i32
        %sign3A_60 = arith.constant 0 : i32
        %sign3A_61 = arith.cmpi slt, %add3A_13, %sign3A_60 : i32
        %sign3A_62 = arith.extui %sign3A_61 : i1 to i32
        %sign3A_63 = arith.subi %sign3A_59, %sign3A_62 : i32
        %sign3A_64 = arith.constant 0 : i32
        %sign3A_65 = arith.cmpi sgt, %jit3A_55, %sign3A_64 : i32
        %sign3A_66 = arith.extui %sign3A_65 : i1 to i32
        %sign3A_67 = arith.constant 0 : i32
        %sign3A_68 = arith.cmpi slt, %jit3A_55, %sign3A_67 : i32
        %sign3A_69 = arith.extui %sign3A_68 : i1 to i32
        %sign3A_70 = arith.subi %sign3A_66, %sign3A_69 : i32
        %ne3A_71 = arith.cmpi ne, %sign3A_63, %sign3A_70 : i32
        %rem3A_72 = arith.remsi %add3A_13, %jit3A_55 : i32
        %ne3A_73 = arith.constant 0 : i32
        %ne3A_74 = arith.cmpi ne, %rem3A_72, %ne3A_73 : i32
        %and3A_75 = arith.andi %ne3A_71, %ne3A_74 : i1
        %sub3A_76 = arith.constant 1 : i32
        %sub3A_77 = arith.subi %div3A_56, %sub3A_76 : i32
        %select_n3A_78 = arith.select %and3A_75, %sub3A_77, %div3A_56 : i32
        %get3A = arith.index_cast %select_n3A_78 : i32 to index
        %get3A_79 = arith.index_cast %add3A_54 : i32 to index
        %get3A_80 = tpu.vector_load %arg7[%get3A, %get3A_79] {strides = array<i32>} : memref<72x128xi32, #tpu.memory_space<vmem>>, vector<16xi32>,
        %swap3A = arith.index_cast %add3A_54 : i32 to index
        %swap3A_81 = tpu.vector_load %arg8[%swap3A] {strides = array<i32>} : memref<128xi32, #tpu.memory_space<vmem>>, vector<16xi32>,
        tpu.vector_store %arg8[%swap3A], %get3A_80 {strides = array<i32>} : memref<128xi32, #tpu.memory_space<vmem>>, vector<16xi32>,
        %shift_right_logical3A = arith.constant 3 : i32
        %shift_right_logical3A_82 = vector.broadcast %shift_right_logical3A : i32 to vector<16xi32>
        %shift_right_logical3A_83 = arith.shrui %get3A_80, %shift_right_logical3A_82 : vector<16xi32>
        %swap3A_84 = arith.index_cast %add3A_54 : i32 to index
        %swap3A_85 = tpu.vector_load %arg9[%swap3A_84] {strides = array<i32>} : memref<128xi32, #tpu.memory_space<vmem>>, vector<16xi32>,
        tpu.vector_store %arg9[%swap3A_84], %shift_right_logical3A_83 {strides = array<i32>} : memref<128xi32, #tpu.memory_space<vmem>>, vector<16xi32>,
        %and3A_86 = arith.constant 7 : i32
        %and3A_87 = vector.broadcast %and3A_86 : i32 to vector<16xi32>
        %and3A_88 = arith.andi %get3A_80, %and3A_87 : vector<16xi32>
        %mul3A_89 = arith.constant 16 : i32
        %mul3A_90 = vector.broadcast %mul3A_89 : i32 to vector<16xi32>
        %mul3A_91 = arith.muli %and3A_88, %mul3A_90 : vector<16xi32>
        %swap3A_92 = arith.index_cast %add3A_54 : i32 to index
        %swap3A_93 = tpu.vector_load %arg10[%swap3A_92] {strides = array<i32>} : memref<128xi32, #tpu.memory_space<vmem>>, vector<16xi32>,
        tpu.vector_store %arg10[%swap3A_92], %mul3A_91 {strides = array<i32>} : memref<128xi32, #tpu.memory_space<vmem>>, vector<16xi32>,
      }
      %scan3A_18 = arith.constant 8 : i32
      %dma_start3A = arith.constant 0 : i32
      %dma_start3A_19 = arith.constant 0 : i32
      %dma_start3A_20 = tpu.memref_slice %arg2[%dma_start3A, %dma_start3A_19] : memref<125000x128xf32, #tpu.memory_space<hbm>> -> memref<125000x128xf32, #tpu.memory_space<hbm>>
      tpu.enqueue_indirect_dma source(%dma_start3A_20 : memref<125000x128xf32, #tpu.memory_space<hbm>>) target(%arg11 : memref<128x128xf32, #tpu.memory_space<vmem>>) offsets(%arg9 : memref<128xi32, #tpu.memory_space<vmem>>) semaphore(%arg14 : memref<!tpu.dma_semaphore, #tpu.memory_space<semaphore_mem>>)
      %dma_start3A_21 = arith.constant 0 : i32
      %dma_start3A_22 = tpu.memref_slice %arg3[%dma_start3A_21] : memref<1000000xf32, #tpu.memory_space<hbm>> -> memref<1000000xf32, #tpu.memory_space<hbm>>
      tpu.enqueue_indirect_dma source(%dma_start3A_22 : memref<1000000xf32, #tpu.memory_space<hbm>>) target(%arg13 : memref<128xf32, #tpu.memory_space<vmem>>) offsets(%arg8 : memref<128xi32, #tpu.memory_space<vmem>>) semaphore(%arg15 : memref<!tpu.dma_semaphore, #tpu.memory_space<semaphore_mem>>)
      %dma_wait3A = arith.constant 0 : i32
      %dma_wait3A_23 = arith.constant 0 : i32
      %dma_wait3A_24 = tpu.memref_slice %arg2[%dma_wait3A, %dma_wait3A_23] : memref<125000x128xf32, #tpu.memory_space<hbm>> -> memref<125000x128xf32, #tpu.memory_space<hbm>>
      tpu.wait_indirect_dma semaphore(%arg14 : memref<!tpu.dma_semaphore, #tpu.memory_space<semaphore_mem>>) src(%dma_wait3A_24 : memref<125000x128xf32, #tpu.memory_space<hbm>>) dst(%arg11 : memref<128x128xf32, #tpu.memory_space<vmem>>)
      %scan3A_25 = arith.constant 0 : i32
      %scan3A_26 = arith.constant 8 : i32
      %scan3A_27 = arith.addi %scan3A_25, %scan3A_26 : i32
      %scan3A_28 = arith.constant 1 : i32
      scf.for %scan3A_50 = %scan3A_25 to %scan3A_27 step %scan3A_28  : i32 {
        %mul3A_51 = arith.constant 16 : i32
        %mul3A_52 = arith.muli %scan3A_50, %mul3A_51 : i32
        %add3A_53 = arith.constant 0 : i32
        %add3A_54 = arith.addi %add3A_53, %mul3A_52 : i32
        %get3A = arith.index_cast %add3A_54 : i32 to index
        %get3A_55 = tpu.vector_load %arg10[%get3A] {strides = array<i32>} : memref<128xi32, #tpu.memory_space<vmem>>, vector<16xi32>,
        %add3A_56 = arith.constant 0 : i32
        %add3A_57 = arith.addi %add3A_54, %add3A_56 : i32
        %slice3A = vector.extract_strided_slice %get3A_55 {offsets = [0], sizes = [1], strides = [1]} : vector<16xi32> to vector<1xi32>
        %squeeze3A = vector.extract %slice3A[0] : i32 from vector<1xi32>
        %get3A_58 = arith.index_cast %add3A_57 : i32 to index
        %get3A_59 = arith.index_cast %squeeze3A : i32 to index
        %get3A_60 = tpu.vector_load %arg11[%get3A_58, %get3A_59] {strides = array<i32>} : memref<128x128xf32, #tpu.memory_space<vmem>>, vector<16xf32>,
        %jit3A_61 = arith.constant 8 : i32
        %div3A_62 = arith.divsi %add3A_54, %jit3A_61 : i32
        %sign3A_63 = arith.constant 0 : i32
        %sign3A_64 = arith.cmpi sgt, %add3A_54, %sign3A_63 : i32
        %sign3A_65 = arith.extui %sign3A_64 : i1 to i32
        %sign3A_66 = arith.constant 0 : i32
        %sign3A_67 = arith.cmpi slt, %add3A_54, %sign3A_66 : i32
        %sign3A_68 = arith.extui %sign3A_67 : i1 to i32
        %sign3A_69 = arith.subi %sign3A_65, %sign3A_68 : i32
        %sign3A_70 = arith.constant 0 : i32
        %sign3A_71 = arith.cmpi sgt, %jit3A_61, %sign3A_70 : i32
        %sign3A_72 = arith.extui %sign3A_71 : i1 to i32
        %sign3A_73 = arith.constant 0 : i32
        %sign3A_74 = arith.cmpi slt, %jit3A_61, %sign3A_73 : i32
        %sign3A_75 = arith.extui %sign3A_74 : i1 to i32
        %sign3A_76 = arith.subi %sign3A_72, %sign3A_75 : i32
        %ne3A_77 = arith.cmpi ne, %sign3A_69, %sign3A_76 : i32
        %rem3A_78 = arith.remsi %add3A_54, %jit3A_61 : i32
        %ne3A_79 = arith.constant 0 : i32
        %ne3A_80 = arith.cmpi ne, %rem3A_78, %ne3A_79 : i32
        %and3A_81 = arith.andi %ne3A_77, %ne3A_80 : i1
        %sub3A_82 = arith.constant 1 : i32
        %sub3A_83 = arith.subi %div3A_62, %sub3A_82 : i32
        %select_n3A_84 = arith.select %and3A_81, %sub3A_83, %div3A_62 : i32
        %add3A_85 = arith.constant 0 : i32
        %add3A_86 = arith.addi %select_n3A_84, %add3A_85 : i32
        %swap3A = arith.index_cast %add3A_86 : i32 to index
        %swap3A_87 = arith.constant 0 : index
        %swap3A_88 = tpu.vector_load %arg12[%swap3A, %swap3A_87] {strides = array<i32>} : memref<16x128xf32, #tpu.memory_space<vmem>>, vector<16xf32>,
        tpu.vector_store %arg12[%swap3A, %swap3A_87], %get3A_60 {strides = array<i32>} : memref<16x128xf32, #tpu.memory_space<vmem>>, vector<16xf32>,
        %add3A_89 = arith.constant 1 : i32
        %add3A_90 = arith.addi %add3A_54, %add3A_89 : i32
        %slice3A_91 = vector.extract_strided_slice %get3A_55 {offsets = [1], sizes = [1], strides = [1]} : vector<16xi32> to vector<1xi32>
        %squeeze3A_92 = vector.extract %slice3A_91[0] : i32 from vector<1xi32>
        %get3A_93 = arith.index_cast %add3A_90 : i32 to index
        %get3A_94 = arith.index_cast %squeeze3A_92 : i32 to index
        %get3A_95 = tpu.vector_load %arg11[%get3A_93, %get3A_94] {strides = array<i32>} : memref<128x128xf32, #tpu.memory_space<vmem>>, vector<16xf32>,
        %jit3A_96 = arith.constant 8 : i32
        %div3A_97 = arith.divsi %add3A_54, %jit3A_96 : i32
        %sign3A_98 = arith.constant 0 : i32
        %sign3A_99 = arith.cmpi sgt, %add3A_54, %sign3A_98 : i32
        %sign3A_100 = arith.extui %sign3A_99 : i1 to i32
        %sign3A_101 = arith.constant 0 : i32
        %sign3A_102 = arith.cmpi slt, %add3A_54, %sign3A_101 : i32
        %sign3A_103 = arith.extui %sign3A_102 : i1 to i32
        %sign3A_104 = arith.subi %sign3A_100, %sign3A_103 : i32
        %sign3A_105 = arith.constant 0 : i32
        %sign3A_106 = arith.cmpi sgt, %jit3A_96, %sign3A_105 : i32
        %sign3A_107 = arith.extui %sign3A_106 : i1 to i32
        %sign3A_108 = arith.constant 0 : i32
        %sign3A_109 = arith.cmpi slt, %jit3A_96, %sign3A_108 : i32
        %sign3A_110 = arith.extui %sign3A_109 : i1 to i32
        %sign3A_111 = arith.subi %sign3A_107, %sign3A_110 : i32
        %ne3A_112 = arith.cmpi ne, %sign3A_104, %sign3A_111 : i32
        %rem3A_113 = arith.remsi %add3A_54, %jit3A_96 : i32
        %ne3A_114 = arith.constant 0 : i32
        %ne3A_115 = arith.cmpi ne, %rem3A_113, %ne3A_114 : i32
        %and3A_116 = arith.andi %ne3A_112, %ne3A_115 : i1
        %sub3A_117 = arith.constant 1 : i32
        %sub3A_118 = arith.subi %div3A_97, %sub3A_117 : i32
        %select_n3A_119 = arith.select %and3A_116, %sub3A_118, %div3A_97 : i32
        %add3A_120 = arith.constant 0 : i32
        %add3A_121 = arith.addi %select_n3A_119, %add3A_120 : i32
        %swap3A_122 = arith.index_cast %add3A_121 : i32 to index
        %swap3A_123 = arith.constant 16 : index
        %swap3A_124 = tpu.vector_load %arg12[%swap3A_122, %swap3A_123] {strides = array<i32>} : memref<16x128xf32, #tpu.memory_space<vmem>>, vector<16xf32>,
        tpu.vector_store %arg12[%swap3A_122, %swap3A_123], %get3A_95 {strides = array<i32>} : memref<16x128xf32, #tpu.memory_space<vmem>>, vector<16xf32>,
        %add3A_125 = arith.constant 2 : i32
        %add3A_126 = arith.addi %add3A_54, %add3A_125 : i32
        %slice3A_127 = vector.extract_strided_slice %get3A_55 {offsets = [2], sizes = [1], strides = [1]} : vector<16xi32> to vector<1xi32>
        %squeeze3A_128 = vector.extract %slice3A_127[0] : i32 from vector<1xi32>
        %get3A_129 = arith.index_cast %add3A_126 : i32 to index
        %get3A_130 = arith.index_cast %squeeze3A_128 : i32 to index
        %get3A_131 = tpu.vector_load %arg11[%get3A_129, %get3A_130] {strides = array<i32>} : memref<128x128xf32, #tpu.memory_space<vmem>>, vector<16xf32>,
        %jit3A_132 = arith.constant 8 : i32
        %div3A_133 = arith.divsi %add3A_54, %jit3A_132 : i32
        %sign3A_134 = arith.constant 0 : i32
        %sign3A_135 = arith.cmpi sgt, %add3A_54, %sign3A_134 : i32
        %sign3A_136 = arith.extui %sign3A_135 : i1 to i32
        %sign3A_137 = arith.constant 0 : i32
        %sign3A_138 = arith.cmpi slt, %add3A_54, %sign3A_137 : i32
        %sign3A_139 = arith.extui %sign3A_138 : i1 to i32
        %sign3A_140 = arith.subi %sign3A_136, %sign3A_139 : i32
        %sign3A_141 = arith.constant 0 : i32
        %sign3A_142 = arith.cmpi sgt, %jit3A_132, %sign3A_141 : i32
        %sign3A_143 = arith.extui %sign3A_142 : i1 to i32
        %sign3A_144 = arith.constant 0 : i32
        %sign3A_145 = arith.cmpi slt, %jit3A_132, %sign3A_144 : i32
        %sign3A_146 = arith.extui %sign3A_145 : i1 to i32
        %sign3A_147 = arith.subi %sign3A_143, %sign3A_146 : i32
        %ne3A_148 = arith.cmpi ne, %sign3A_140, %sign3A_147 : i32
        %rem3A_149 = arith.remsi %add3A_54, %jit3A_132 : i32
        %ne3A_150 = arith.constant 0 : i32
        %ne3A_151 = arith.cmpi ne, %rem3A_149, %ne3A_150 : i32
        %and3A_152 = arith.andi %ne3A_148, %ne3A_151 : i1
        %sub3A_153 = arith.constant 1 : i32
        %sub3A_154 = arith.subi %div3A_133, %sub3A_153 : i32
        %select_n3A_155 = arith.select %and3A_152, %sub3A_154, %div3A_133 : i32
        %add3A_156 = arith.constant 0 : i32
        %add3A_157 = arith.addi %select_n3A_155, %add3A_156 : i32
        %swap3A_158 = arith.index_cast %add3A_157 : i32 to index
        %swap3A_159 = arith.constant 32 : index
        %swap3A_160 = tpu.vector_load %arg12[%swap3A_158, %swap3A_159] {strides = array<i32>} : memref<16x128xf32, #tpu.memory_space<vmem>>, vector<16xf32>,
        tpu.vector_store %arg12[%swap3A_158, %swap3A_159], %get3A_131 {strides = array<i32>} : memref<16x128xf32, #tpu.memory_space<vmem>>, vector<16xf32>,
        %add3A_161 = arith.constant 3 : i32
        %add3A_162 = arith.addi %add3A_54, %add3A_161 : i32
        %slice3A_163 = vector.extract_strided_slice %get3A_55 {offsets = [3], sizes = [1], strides = [1]} : vector<16xi32> to vector<1xi32>
        %squeeze3A_164 = vector.extract %slice3A_163[0] : i32 from vector<1xi32>
        %get3A_165 = arith.index_cast %add3A_162 : i32 to index
        %get3A_166 = arith.index_cast %squeeze3A_164 : i32 to index
        %get3A_167 = tpu.vector_load %arg11[%get3A_165, %get3A_166] {strides = array<i32>} : memref<128x128xf32, #tpu.memory_space<vmem>>, vector<16xf32>,
        %jit3A_168 = arith.constant 8 : i32
        %div3A_169 = arith.divsi %add3A_54, %jit3A_168 : i32
        %sign3A_170 = arith.constant 0 : i32
        %sign3A_171 = arith.cmpi sgt, %add3A_54, %sign3A_170 : i32
        %sign3A_172 = arith.extui %sign3A_171 : i1 to i32
        %sign3A_173 = arith.constant 0 : i32
        %sign3A_174 = arith.cmpi slt, %add3A_54, %sign3A_173 : i32
        %sign3A_175 = arith.extui %sign3A_174 : i1 to i32
        %sign3A_176 = arith.subi %sign3A_172, %sign3A_175 : i32
        %sign3A_177 = arith.constant 0 : i32
        %sign3A_178 = arith.cmpi sgt, %jit3A_168, %sign3A_177 : i32
        %sign3A_179 = arith.extui %sign3A_178 : i1 to i32
        %sign3A_180 = arith.constant 0 : i32
        %sign3A_181 = arith.cmpi slt, %jit3A_168, %sign3A_180 : i32
        %sign3A_182 = arith.extui %sign3A_181 : i1 to i32
        %sign3A_183 = arith.subi %sign3A_179, %sign3A_182 : i32
        %ne3A_184 = arith.cmpi ne, %sign3A_176, %sign3A_183 : i32
        %rem3A_185 = arith.remsi %add3A_54, %jit3A_168 : i32
        %ne3A_186 = arith.constant 0 : i32
        %ne3A_187 = arith.cmpi ne, %rem3A_185, %ne3A_186 : i32
        %and3A_188 = arith.andi %ne3A_184, %ne3A_187 : i1
        %sub3A_189 = arith.constant 1 : i32
        %sub3A_190 = arith.subi %div3A_169, %sub3A_189 : i32
        %select_n3A_191 = arith.select %and3A_188, %sub3A_190, %div3A_169 : i32
        %add3A_192 = arith.constant 0 : i32
        %add3A_193 = arith.addi %select_n3A_191, %add3A_192 : i32
        %swap3A_194 = arith.index_cast %add3A_193 : i32 to index
        %swap3A_195 = arith.constant 48 : index
        %swap3A_196 = tpu.vector_load %arg12[%swap3A_194, %swap3A_195] {strides = array<i32>} : memref<16x128xf32, #tpu.memory_space<vmem>>, vector<16xf32>,
        tpu.vector_store %arg12[%swap3A_194, %swap3A_195], %get3A_167 {strides = array<i32>} : memref<16x128xf32, #tpu.memory_space<vmem>>, vector<16xf32>,
        %add3A_197 = arith.constant 4 : i32
        %add3A_198 = arith.addi %add3A_54, %add3A_197 : i32
        %slice3A_199 = vector.extract_strided_slice %get3A_55 {offsets = [4], sizes = [1], strides = [1]} : vector<16xi32> to vector<1xi32>
        %squeeze3A_200 = vector.extract %slice3A_199[0] : i32 from vector<1xi32>
        %get3A_201 = arith.index_cast %add3A_198 : i32 to index
        %get3A_202 = arith.index_cast %squeeze3A_200 : i32 to index
        %get3A_203 = tpu.vector_load %arg11[%get3A_201, %get3A_202] {strides = array<i32>} : memref<128x128xf32, #tpu.memory_space<vmem>>, vector<16xf32>,
        %jit3A_204 = arith.constant 8 : i32
        %div3A_205 = arith.divsi %add3A_54, %jit3A_204 : i32
        %sign3A_206 = arith.constant 0 : i32
        %sign3A_207 = arith.cmpi sgt, %add3A_54, %sign3A_206 : i32
        %sign3A_208 = arith.extui %sign3A_207 : i1 to i32
        %sign3A_209 = arith.constant 0 : i32
        %sign3A_210 = arith.cmpi slt, %add3A_54, %sign3A_209 : i32
        %sign3A_211 = arith.extui %sign3A_210 : i1 to i32
        %sign3A_212 = arith.subi %sign3A_208, %sign3A_211 : i32
        %sign3A_213 = arith.constant 0 : i32
        %sign3A_214 = arith.cmpi sgt, %jit3A_204, %sign3A_213 : i32
        %sign3A_215 = arith.extui %sign3A_214 : i1 to i32
        %sign3A_216 = arith.constant 0 : i32
        %sign3A_217 = arith.cmpi slt, %jit3A_204, %sign3A_216 : i32
        %sign3A_218 = arith.extui %sign3A_217 : i1 to i32
        %sign3A_219 = arith.subi %sign3A_215, %sign3A_218 : i32
        %ne3A_220 = arith.cmpi ne, %sign3A_212, %sign3A_219 : i32
        %rem3A_221 = arith.remsi %add3A_54, %jit3A_204 : i32
        %ne3A_222 = arith.constant 0 : i32
        %ne3A_223 = arith.cmpi ne, %rem3A_221, %ne3A_222 : i32
        %and3A_224 = arith.andi %ne3A_220, %ne3A_223 : i1
        %sub3A_225 = arith.constant 1 : i32
        %sub3A_226 = arith.subi %div3A_205, %sub3A_225 : i32
        %select_n3A_227 = arith.select %and3A_224, %sub3A_226, %div3A_205 : i32
        %add3A_228 = arith.constant 0 : i32
        %add3A_229 = arith.addi %select_n3A_227, %add3A_228 : i32
        %swap3A_230 = arith.index_cast %add3A_229 : i32 to index
        %swap3A_231 = arith.constant 64 : index
        %swap3A_232 = tpu.vector_load %arg12[%swap3A_230, %swap3A_231] {strides = array<i32>} : memref<16x128xf32, #tpu.memory_space<vmem>>, vector<16xf32>,
        tpu.vector_store %arg12[%swap3A_230, %swap3A_231], %get3A_203 {strides = array<i32>} : memref<16x128xf32, #tpu.memory_space<vmem>>, vector<16xf32>,
        %add3A_233 = arith.constant 5 : i32
        %add3A_234 = arith.addi %add3A_54, %add3A_233 : i32
        %slice3A_235 = vector.extract_strided_slice %get3A_55 {offsets = [5], sizes = [1], strides = [1]} : vector<16xi32> to vector<1xi32>
        %squeeze3A_236 = vector.extract %slice3A_235[0] : i32 from vector<1xi32>
        %get3A_237 = arith.index_cast %add3A_234 : i32 to index
        %get3A_238 = arith.index_cast %squeeze3A_236 : i32 to index
        %get3A_239 = tpu.vector_load %arg11[%get3A_237, %get3A_238] {strides = array<i32>} : memref<128x128xf32, #tpu.memory_space<vmem>>, vector<16xf32>,
        %jit3A_240 = arith.constant 8 : i32
        %div3A_241 = arith.divsi %add3A_54, %jit3A_240 : i32
        %sign3A_242 = arith.constant 0 : i32
        %sign3A_243 = arith.cmpi sgt, %add3A_54, %sign3A_242 : i32
        %sign3A_244 = arith.extui %sign3A_243 : i1 to i32
        %sign3A_245 = arith.constant 0 : i32
        %sign3A_246 = arith.cmpi slt, %add3A_54, %sign3A_245 : i32
        %sign3A_247 = arith.extui %sign3A_246 : i1 to i32
        %sign3A_248 = arith.subi %sign3A_244, %sign3A_247 : i32
        %sign3A_249 = arith.constant 0 : i32
        %sign3A_250 = arith.cmpi sgt, %jit3A_240, %sign3A_249 : i32
        %sign3A_251 = arith.extui %sign3A_250 : i1 to i32
        %sign3A_252 = arith.constant 0 : i32
        %sign3A_253 = arith.cmpi slt, %jit3A_240, %sign3A_252 : i32
        %sign3A_254 = arith.extui %sign3A_253 : i1 to i32
        %sign3A_255 = arith.subi %sign3A_251, %sign3A_254 : i32
        %ne3A_256 = arith.cmpi ne, %sign3A_248, %sign3A_255 : i32
        %rem3A_257 = arith.remsi %add3A_54, %jit3A_240 : i32
        %ne3A_258 = arith.constant 0 : i32
        %ne3A_259 = arith.cmpi ne, %rem3A_257, %ne3A_258 : i32
        %and3A_260 = arith.andi %ne3A_256, %ne3A_259 : i1
        %sub3A_261 = arith.constant 1 : i32
        %sub3A_262 = arith.subi %div3A_241, %sub3A_261 : i32
        %select_n3A_263 = arith.select %and3A_260, %sub3A_262, %div3A_241 : i32
        %add3A_264 = arith.constant 0 : i32
        %add3A_265 = arith.addi %select_n3A_263, %add3A_264 : i32
        %swap3A_266 = arith.index_cast %add3A_265 : i32 to index
        %swap3A_267 = arith.constant 80 : index
        %swap3A_268 = tpu.vector_load %arg12[%swap3A_266, %swap3A_267] {strides = array<i32>} : memref<16x128xf32, #tpu.memory_space<vmem>>, vector<16xf32>,
        tpu.vector_store %arg12[%swap3A_266, %swap3A_267], %get3A_239 {strides = array<i32>} : memref<16x128xf32, #tpu.memory_space<vmem>>, vector<16xf32>,
        %add3A_269 = arith.constant 6 : i32
        %add3A_270 = arith.addi %add3A_54, %add3A_269 : i32
        %slice3A_271 = vector.extract_strided_slice %get3A_55 {offsets = [6], sizes = [1], strides = [1]} : vector<16xi32> to vector<1xi32>
        %squeeze3A_272 = vector.extract %slice3A_271[0] : i32 from vector<1xi32>
        %get3A_273 = arith.index_cast %add3A_270 : i32 to index
        %get3A_274 = arith.index_cast %squeeze3A_272 : i32 to index
        %get3A_275 = tpu.vector_load %arg11[%get3A_273, %get3A_274] {strides = array<i32>} : memref<128x128xf32, #tpu.memory_space<vmem>>, vector<16xf32>,
        %jit3A_276 = arith.constant 8 : i32
        %div3A_277 = arith.divsi %add3A_54, %jit3A_276 : i32
        %sign3A_278 = arith.constant 0 : i32
        %sign3A_279 = arith.cmpi sgt, %add3A_54, %sign3A_278 : i32
        %sign3A_280 = arith.extui %sign3A_279 : i1 to i32
        %sign3A_281 = arith.constant 0 : i32
        %sign3A_282 = arith.cmpi slt, %add3A_54, %sign3A_281 : i32
        %sign3A_283 = arith.extui %sign3A_282 : i1 to i32
        %sign3A_284 = arith.subi %sign3A_280, %sign3A_283 : i32
        %sign3A_285 = arith.constant 0 : i32
        %sign3A_286 = arith.cmpi sgt, %jit3A_276, %sign3A_285 : i32
        %sign3A_287 = arith.extui %sign3A_286 : i1 to i32
        %sign3A_288 = arith.constant 0 : i32
        %sign3A_289 = arith.cmpi slt, %jit3A_276, %sign3A_288 : i32
        %sign3A_290 = arith.extui %sign3A_289 : i1 to i32
        %sign3A_291 = arith.subi %sign3A_287, %sign3A_290 : i32
        %ne3A_292 = arith.cmpi ne, %sign3A_284, %sign3A_291 : i32
        %rem3A_293 = arith.remsi %add3A_54, %jit3A_276 : i32
        %ne3A_294 = arith.constant 0 : i32
        %ne3A_295 = arith.cmpi ne, %rem3A_293, %ne3A_294 : i32
        %and3A_296 = arith.andi %ne3A_292, %ne3A_295 : i1
        %sub3A_297 = arith.constant 1 : i32
        %sub3A_298 = arith.subi %div3A_277, %sub3A_297 : i32
        %select_n3A_299 = arith.select %and3A_296, %sub3A_298, %div3A_277 : i32
        %add3A_300 = arith.constant 0 : i32
        %add3A_301 = arith.addi %select_n3A_299, %add3A_300 : i32
        %swap3A_302 = arith.index_cast %add3A_301 : i32 to index
        %swap3A_303 = arith.constant 96 : index
        %swap3A_304 = tpu.vector_load %arg12[%swap3A_302, %swap3A_303] {strides = array<i32>} : memref<16x128xf32, #tpu.memory_space<vmem>>, vector<16xf32>,
        tpu.vector_store %arg12[%swap3A_302, %swap3A_303], %get3A_275 {strides = array<i32>} : memref<16x128xf32, #tpu.memory_space<vmem>>, vector<16xf32>,
        %add3A_305 = arith.constant 7 : i32
        %add3A_306 = arith.addi %add3A_54, %add3A_305 : i32
        %slice3A_307 = vector.extract_strided_slice %get3A_55 {offsets = [7], sizes = [1], strides = [1]} : vector<16xi32> to vector<1xi32>
        %squeeze3A_308 = vector.extract %slice3A_307[0] : i32 from vector<1xi32>
        %get3A_309 = arith.index_cast %add3A_306 : i32 to index
        %get3A_310 = arith.index_cast %squeeze3A_308 : i32 to index
        %get3A_311 = tpu.vector_load %arg11[%get3A_309, %get3A_310] {strides = array<i32>} : memref<128x128xf32, #tpu.memory_space<vmem>>, vector<16xf32>,
        %jit3A_312 = arith.constant 8 : i32
        %div3A_313 = arith.divsi %add3A_54, %jit3A_312 : i32
        %sign3A_314 = arith.constant 0 : i32
        %sign3A_315 = arith.cmpi sgt, %add3A_54, %sign3A_314 : i32
        %sign3A_316 = arith.extui %sign3A_315 : i1 to i32
        %sign3A_317 = arith.constant 0 : i32
        %sign3A_318 = arith.cmpi slt, %add3A_54, %sign3A_317 : i32
        %sign3A_319 = arith.extui %sign3A_318 : i1 to i32
        %sign3A_320 = arith.subi %sign3A_316, %sign3A_319 : i32
        %sign3A_321 = arith.constant 0 : i32
        %sign3A_322 = arith.cmpi sgt, %jit3A_312, %sign3A_321 : i32
        %sign3A_323 = arith.extui %sign3A_322 : i1 to i32
        %sign3A_324 = arith.constant 0 : i32
        %sign3A_325 = arith.cmpi slt, %jit3A_312, %sign3A_324 : i32
        %sign3A_326 = arith.extui %sign3A_325 : i1 to i32
        %sign3A_327 = arith.subi %sign3A_323, %sign3A_326 : i32
        %ne3A_328 = arith.cmpi ne, %sign3A_320, %sign3A_327 : i32
        %rem3A_329 = arith.remsi %add3A_54, %jit3A_312 : i32
        %ne3A_330 = arith.constant 0 : i32
        %ne3A_331 = arith.cmpi ne, %rem3A_329, %ne3A_330 : i32
        %and3A_332 = arith.andi %ne3A_328, %ne3A_331 : i1
        %sub3A_333 = arith.constant 1 : i32
        %sub3A_334 = arith.subi %div3A_313, %sub3A_333 : i32
        %select_n3A_335 = arith.select %and3A_332, %sub3A_334, %div3A_313 : i32
        %add3A_336 = arith.constant 0 : i32
        %add3A_337 = arith.addi %select_n3A_335, %add3A_336 : i32
        %swap3A_338 = arith.index_cast %add3A_337 : i32 to index
        %swap3A_339 = arith.constant 112 : index
        %swap3A_340 = tpu.vector_load %arg12[%swap3A_338, %swap3A_339] {strides = array<i32>} : memref<16x128xf32, #tpu.memory_space<vmem>>, vector<16xf32>,
        tpu.vector_store %arg12[%swap3A_338, %swap3A_339], %get3A_311 {strides = array<i32>} : memref<16x128xf32, #tpu.memory_space<vmem>>, vector<16xf32>,
        %add3A_341 = arith.constant 8 : i32
        %add3A_342 = arith.addi %add3A_54, %add3A_341 : i32
        %slice3A_343 = vector.extract_strided_slice %get3A_55 {offsets = [8], sizes = [1], strides = [1]} : vector<16xi32> to vector<1xi32>
        %squeeze3A_344 = vector.extract %slice3A_343[0] : i32 from vector<1xi32>
        %get3A_345 = arith.index_cast %add3A_342 : i32 to index
        %get3A_346 = arith.index_cast %squeeze3A_344 : i32 to index
        %get3A_347 = tpu.vector_load %arg11[%get3A_345, %get3A_346] {strides = array<i32>} : memref<128x128xf32, #tpu.memory_space<vmem>>, vector<16xf32>,
        %jit3A_348 = arith.constant 8 : i32
        %div3A_349 = arith.divsi %add3A_54, %jit3A_348 : i32
        %sign3A_350 = arith.constant 0 : i32
        %sign3A_351 = arith.cmpi sgt, %add3A_54, %sign3A_350 : i32
        %sign3A_352 = arith.extui %sign3A_351 : i1 to i32
        %sign3A_353 = arith.constant 0 : i32
        %sign3A_354 = arith.cmpi slt, %add3A_54, %sign3A_353 : i32
        %sign3A_355 = arith.extui %sign3A_354 : i1 to i32
        %sign3A_356 = arith.subi %sign3A_352, %sign3A_355 : i32
        %sign3A_357 = arith.constant 0 : i32
        %sign3A_358 = arith.cmpi sgt, %jit3A_348, %sign3A_357 : i32
        %sign3A_359 = arith.extui %sign3A_358 : i1 to i32
        %sign3A_360 = arith.constant 0 : i32
        %sign3A_361 = arith.cmpi slt, %jit3A_348, %sign3A_360 : i32
        %sign3A_362 = arith.extui %sign3A_361 : i1 to i32
        %sign3A_363 = arith.subi %sign3A_359, %sign3A_362 : i32
        %ne3A_364 = arith.cmpi ne, %sign3A_356, %sign3A_363 : i32
        %rem3A_365 = arith.remsi %add3A_54, %jit3A_348 : i32
        %ne3A_366 = arith.constant 0 : i32
        %ne3A_367 = arith.cmpi ne, %rem3A_365, %ne3A_366 : i32
        %and3A_368 = arith.andi %ne3A_364, %ne3A_367 : i1
        %sub3A_369 = arith.constant 1 : i32
        %sub3A_370 = arith.subi %div3A_349, %sub3A_369 : i32
        %select_n3A_371 = arith.select %and3A_368, %sub3A_370, %div3A_349 : i32
        %add3A_372 = arith.constant 1 : i32
        %add3A_373 = arith.addi %select_n3A_371, %add3A_372 : i32
        %swap3A_374 = arith.index_cast %add3A_373 : i32 to index
        %swap3A_375 = arith.constant 0 : index
        %swap3A_376 = tpu.vector_load %arg12[%swap3A_374, %swap3A_375] {strides = array<i32>} : memref<16x128xf32, #tpu.memory_space<vmem>>, vector<16xf32>,
        tpu.vector_store %arg12[%swap3A_374, %swap3A_375], %get3A_347 {strides = array<i32>} : memref<16x128xf32, #tpu.memory_space<vmem>>, vector<16xf32>,
        %add3A_377 = arith.constant 9 : i32
        %add3A_378 = arith.addi %add3A_54, %add3A_377 : i32
        %slice3A_379 = vector.extract_strided_slice %get3A_55 {offsets = [9], sizes = [1], strides = [1]} : vector<16xi32> to vector<1xi32>
        %squeeze3A_380 = vector.extract %slice3A_379[0] : i32 from vector<1xi32>
        %get3A_381 = arith.index_cast %add3A_378 : i32 to index
        %get3A_382 = arith.index_cast %squeeze3A_380 : i32 to index
        %get3A_383 = tpu.vector_load %arg11[%get3A_381, %get3A_382] {strides = array<i32>} : memref<128x128xf32, #tpu.memory_space<vmem>>, vector<16xf32>,
        %jit3A_384 = arith.constant 8 : i32
        %div3A_385 = arith.divsi %add3A_54, %jit3A_384 : i32
        %sign3A_386 = arith.constant 0 : i32
        %sign3A_387 = arith.cmpi sgt, %add3A_54, %sign3A_386 : i32
        %sign3A_388 = arith.extui %sign3A_387 : i1 to i32
        %sign3A_389 = arith.constant 0 : i32
        %sign3A_390 = arith.cmpi slt, %add3A_54, %sign3A_389 : i32
        %sign3A_391 = arith.extui %sign3A_390 : i1 to i32
        %sign3A_392 = arith.subi %sign3A_388, %sign3A_391 : i32
        %sign3A_393 = arith.constant 0 : i32
        %sign3A_394 = arith.cmpi sgt, %jit3A_384, %sign3A_393 : i32
        %sign3A_395 = arith.extui %sign3A_394 : i1 to i32
        %sign3A_396 = arith.constant 0 : i32
        %sign3A_397 = arith.cmpi slt, %jit3A_384, %sign3A_396 : i32
        %sign3A_398 = arith.extui %sign3A_397 : i1 to i32
        %sign3A_399 = arith.subi %sign3A_395, %sign3A_398 : i32
        %ne3A_400 = arith.cmpi ne, %sign3A_392, %sign3A_399 : i32
        %rem3A_401 = arith.remsi %add3A_54, %jit3A_384 : i32
        %ne3A_402 = arith.constant 0 : i32
        %ne3A_403 = arith.cmpi ne, %rem3A_401, %ne3A_402 : i32
        %and3A_404 = arith.andi %ne3A_400, %ne3A_403 : i1
        %sub3A_405 = arith.constant 1 : i32
        %sub3A_406 = arith.subi %div3A_385, %sub3A_405 : i32
        %select_n3A_407 = arith.select %and3A_404, %sub3A_406, %div3A_385 : i32
        %add3A_408 = arith.constant 1 : i32
        %add3A_409 = arith.addi %select_n3A_407, %add3A_408 : i32
        %swap3A_410 = arith.index_cast %add3A_409 : i32 to index
        %swap3A_411 = arith.constant 16 : index
        %swap3A_412 = tpu.vector_load %arg12[%swap3A_410, %swap3A_411] {strides = array<i32>} : memref<16x128xf32, #tpu.memory_space<vmem>>, vector<16xf32>,
        tpu.vector_store %arg12[%swap3A_410, %swap3A_411], %get3A_383 {strides = array<i32>} : memref<16x128xf32, #tpu.memory_space<vmem>>, vector<16xf32>,
        %add3A_413 = arith.constant 10 : i32
        %add3A_414 = arith.addi %add3A_54, %add3A_413 : i32
        %slice3A_415 = vector.extract_strided_slice %get3A_55 {offsets = [10], sizes = [1], strides = [1]} : vector<16xi32> to vector<1xi32>
        %squeeze3A_416 = vector.extract %slice3A_415[0] : i32 from vector<1xi32>
        %get3A_417 = arith.index_cast %add3A_414 : i32 to index
        %get3A_418 = arith.index_cast %squeeze3A_416 : i32 to index
        %get3A_419 = tpu.vector_load %arg11[%get3A_417, %get3A_418] {strides = array<i32>} : memref<128x128xf32, #tpu.memory_space<vmem>>, vector<16xf32>,
        %jit3A_420 = arith.constant 8 : i32
        %div3A_421 = arith.divsi %add3A_54, %jit3A_420 : i32
        %sign3A_422 = arith.constant 0 : i32
        %sign3A_423 = arith.cmpi sgt, %add3A_54, %sign3A_422 : i32
        %sign3A_424 = arith.extui %sign3A_423 : i1 to i32
        %sign3A_425 = arith.constant 0 : i32
        %sign3A_426 = arith.cmpi slt, %add3A_54, %sign3A_425 : i32
        %sign3A_427 = arith.extui %sign3A_426 : i1 to i32
        %sign3A_428 = arith.subi %sign3A_424, %sign3A_427 : i32
        %sign3A_429 = arith.constant 0 : i32
        %sign3A_430 = arith.cmpi sgt, %jit3A_420, %sign3A_429 : i32
        %sign3A_431 = arith.extui %sign3A_430 : i1 to i32
        %sign3A_432 = arith.constant 0 : i32
        %sign3A_433 = arith.cmpi slt, %jit3A_420, %sign3A_432 : i32
        %sign3A_434 = arith.extui %sign3A_433 : i1 to i32
        %sign3A_435 = arith.subi %sign3A_431, %sign3A_434 : i32
        %ne3A_436 = arith.cmpi ne, %sign3A_428, %sign3A_435 : i32
        %rem3A_437 = arith.remsi %add3A_54, %jit3A_420 : i32
        %ne3A_438 = arith.constant 0 : i32
        %ne3A_439 = arith.cmpi ne, %rem3A_437, %ne3A_438 : i32
        %and3A_440 = arith.andi %ne3A_436, %ne3A_439 : i1
        %sub3A_441 = arith.constant 1 : i32
        %sub3A_442 = arith.subi %div3A_421, %sub3A_441 : i32
        %select_n3A_443 = arith.select %and3A_440, %sub3A_442, %div3A_421 : i32
        %add3A_444 = arith.constant 1 : i32
        %add3A_445 = arith.addi %select_n3A_443, %add3A_444 : i32
        %swap3A_446 = arith.index_cast %add3A_445 : i32 to index
        %swap3A_447 = arith.constant 32 : index
        %swap3A_448 = tpu.vector_load %arg12[%swap3A_446, %swap3A_447] {strides = array<i32>} : memref<16x128xf32, #tpu.memory_space<vmem>>, vector<16xf32>,
        tpu.vector_store %arg12[%swap3A_446, %swap3A_447], %get3A_419 {strides = array<i32>} : memref<16x128xf32, #tpu.memory_space<vmem>>, vector<16xf32>,
        %add3A_449 = arith.constant 11 : i32
        %add3A_450 = arith.addi %add3A_54, %add3A_449 : i32
        %slice3A_451 = vector.extract_strided_slice %get3A_55 {offsets = [11], sizes = [1], strides = [1]} : vector<16xi32> to vector<1xi32>
        %squeeze3A_452 = vector.extract %slice3A_451[0] : i32 from vector<1xi32>
        %get3A_453 = arith.index_cast %add3A_450 : i32 to index
        %get3A_454 = arith.index_cast %squeeze3A_452 : i32 to index
        %get3A_455 = tpu.vector_load %arg11[%get3A_453, %get3A_454] {strides = array<i32>} : memref<128x128xf32, #tpu.memory_space<vmem>>, vector<16xf32>,
        %jit3A_456 = arith.constant 8 : i32
        %div3A_457 = arith.divsi %add3A_54, %jit3A_456 : i32
        %sign3A_458 = arith.constant 0 : i32
        %sign3A_459 = arith.cmpi sgt, %add3A_54, %sign3A_458 : i32
        %sign3A_460 = arith.extui %sign3A_459 : i1 to i32
        %sign3A_461 = arith.constant 0 : i32
        %sign3A_462 = arith.cmpi slt, %add3A_54, %sign3A_461 : i32
        %sign3A_463 = arith.extui %sign3A_462 : i1 to i32
        %sign3A_464 = arith.subi %sign3A_460, %sign3A_463 : i32
        %sign3A_465 = arith.constant 0 : i32
        %sign3A_466 = arith.cmpi sgt, %jit3A_456, %sign3A_465 : i32
        %sign3A_467 = arith.extui %sign3A_466 : i1 to i32
        %sign3A_468 = arith.constant 0 : i32
        %sign3A_469 = arith.cmpi slt, %jit3A_456, %sign3A_468 : i32
        %sign3A_470 = arith.extui %sign3A_469 : i1 to i32
        %sign3A_471 = arith.subi %sign3A_467, %sign3A_470 : i32
        %ne3A_472 = arith.cmpi ne, %sign3A_464, %sign3A_471 : i32
        %rem3A_473 = arith.remsi %add3A_54, %jit3A_456 : i32
        %ne3A_474 = arith.constant 0 : i32
        %ne3A_475 = arith.cmpi ne, %rem3A_473, %ne3A_474 : i32
        %and3A_476 = arith.andi %ne3A_472, %ne3A_475 : i1
        %sub3A_477 = arith.constant 1 : i32
        %sub3A_478 = arith.subi %div3A_457, %sub3A_477 : i32
        %select_n3A_479 = arith.select %and3A_476, %sub3A_478, %div3A_457 : i32
        %add3A_480 = arith.constant 1 : i32
        %add3A_481 = arith.addi %select_n3A_479, %add3A_480 : i32
        %swap3A_482 = arith.index_cast %add3A_481 : i32 to index
        %swap3A_483 = arith.constant 48 : index
        %swap3A_484 = tpu.vector_load %arg12[%swap3A_482, %swap3A_483] {strides = array<i32>} : memref<16x128xf32, #tpu.memory_space<vmem>>, vector<16xf32>,
        tpu.vector_store %arg12[%swap3A_482, %swap3A_483], %get3A_455 {strides = array<i32>} : memref<16x128xf32, #tpu.memory_space<vmem>>, vector<16xf32>,
        %add3A_485 = arith.constant 12 : i32
        %add3A_486 = arith.addi %add3A_54, %add3A_485 : i32
        %slice3A_487 = vector.extract_strided_slice %get3A_55 {offsets = [12], sizes = [1], strides = [1]} : vector<16xi32> to vector<1xi32>
        %squeeze3A_488 = vector.extract %slice3A_487[0] : i32 from vector<1xi32>
        %get3A_489 = arith.index_cast %add3A_486 : i32 to index
        %get3A_490 = arith.index_cast %squeeze3A_488 : i32 to index
        %get3A_491 = tpu.vector_load %arg11[%get3A_489, %get3A_490] {strides = array<i32>} : memref<128x128xf32, #tpu.memory_space<vmem>>, vector<16xf32>,
        %jit3A_492 = arith.constant 8 : i32
        %div3A_493 = arith.divsi %add3A_54, %jit3A_492 : i32
        %sign3A_494 = arith.constant 0 : i32
        %sign3A_495 = arith.cmpi sgt, %add3A_54, %sign3A_494 : i32
        %sign3A_496 = arith.extui %sign3A_495 : i1 to i32
        %sign3A_497 = arith.constant 0 : i32
        %sign3A_498 = arith.cmpi slt, %add3A_54, %sign3A_497 : i32
        %sign3A_499 = arith.extui %sign3A_498 : i1 to i32
        %sign3A_500 = arith.subi %sign3A_496, %sign3A_499 : i32
        %sign3A_501 = arith.constant 0 : i32
        %sign3A_502 = arith.cmpi sgt, %jit3A_492, %sign3A_501 : i32
        %sign3A_503 = arith.extui %sign3A_502 : i1 to i32
        %sign3A_504 = arith.constant 0 : i32
        %sign3A_505 = arith.cmpi slt, %jit3A_492, %sign3A_504 : i32
        %sign3A_506 = arith.extui %sign3A_505 : i1 to i32
        %sign3A_507 = arith.subi %sign3A_503, %sign3A_506 : i32
        %ne3A_508 = arith.cmpi ne, %sign3A_500, %sign3A_507 : i32
        %rem3A_509 = arith.remsi %add3A_54, %jit3A_492 : i32
        %ne3A_510 = arith.constant 0 : i32
        %ne3A_511 = arith.cmpi ne, %rem3A_509, %ne3A_510 : i32
        %and3A_512 = arith.andi %ne3A_508, %ne3A_511 : i1
        %sub3A_513 = arith.constant 1 : i32
        %sub3A_514 = arith.subi %div3A_493, %sub3A_513 : i32
        %select_n3A_515 = arith.select %and3A_512, %sub3A_514, %div3A_493 : i32
        %add3A_516 = arith.constant 1 : i32
        %add3A_517 = arith.addi %select_n3A_515, %add3A_516 : i32
        %swap3A_518 = arith.index_cast %add3A_517 : i32 to index
        %swap3A_519 = arith.constant 64 : index
        %swap3A_520 = tpu.vector_load %arg12[%swap3A_518, %swap3A_519] {strides = array<i32>} : memref<16x128xf32, #tpu.memory_space<vmem>>, vector<16xf32>,
        tpu.vector_store %arg12[%swap3A_518, %swap3A_519], %get3A_491 {strides = array<i32>} : memref<16x128xf32, #tpu.memory_space<vmem>>, vector<16xf32>,
        %add3A_521 = arith.constant 13 : i32
        %add3A_522 = arith.addi %add3A_54, %add3A_521 : i32
        %slice3A_523 = vector.extract_strided_slice %get3A_55 {offsets = [13], sizes = [1], strides = [1]} : vector<16xi32> to vector<1xi32>
        %squeeze3A_524 = vector.extract %slice3A_523[0] : i32 from vector<1xi32>
        %get3A_525 = arith.index_cast %add3A_522 : i32 to index
        %get3A_526 = arith.index_cast %squeeze3A_524 : i32 to index
        %get3A_527 = tpu.vector_load %arg11[%get3A_525, %get3A_526] {strides = array<i32>} : memref<128x128xf32, #tpu.memory_space<vmem>>, vector<16xf32>,
        %jit3A_528 = arith.constant 8 : i32
        %div3A_529 = arith.divsi %add3A_54, %jit3A_528 : i32
        %sign3A_530 = arith.constant 0 : i32
        %sign3A_531 = arith.cmpi sgt, %add3A_54, %sign3A_530 : i32
        %sign3A_532 = arith.extui %sign3A_531 : i1 to i32
        %sign3A_533 = arith.constant 0 : i32
        %sign3A_534 = arith.cmpi slt, %add3A_54, %sign3A_533 : i32
        %sign3A_535 = arith.extui %sign3A_534 : i1 to i32
        %sign3A_536 = arith.subi %sign3A_532, %sign3A_535 : i32
        %sign3A_537 = arith.constant 0 : i32
        %sign3A_538 = arith.cmpi sgt, %jit3A_528, %sign3A_537 : i32
        %sign3A_539 = arith.extui %sign3A_538 : i1 to i32
        %sign3A_540 = arith.constant 0 : i32
        %sign3A_541 = arith.cmpi slt, %jit3A_528, %sign3A_540 : i32
        %sign3A_542 = arith.extui %sign3A_541 : i1 to i32
        %sign3A_543 = arith.subi %sign3A_539, %sign3A_542 : i32
        %ne3A_544 = arith.cmpi ne, %sign3A_536, %sign3A_543 : i32
        %rem3A_545 = arith.remsi %add3A_54, %jit3A_528 : i32
        %ne3A_546 = arith.constant 0 : i32
        %ne3A_547 = arith.cmpi ne, %rem3A_545, %ne3A_546 : i32
        %and3A_548 = arith.andi %ne3A_544, %ne3A_547 : i1
        %sub3A_549 = arith.constant 1 : i32
        %sub3A_550 = arith.subi %div3A_529, %sub3A_549 : i32
        %select_n3A_551 = arith.select %and3A_548, %sub3A_550, %div3A_529 : i32
        %add3A_552 = arith.constant 1 : i32
        %add3A_553 = arith.addi %select_n3A_551, %add3A_552 : i32
        %swap3A_554 = arith.index_cast %add3A_553 : i32 to index
        %swap3A_555 = arith.constant 80 : index
        %swap3A_556 = tpu.vector_load %arg12[%swap3A_554, %swap3A_555] {strides = array<i32>} : memref<16x128xf32, #tpu.memory_space<vmem>>, vector<16xf32>,
        tpu.vector_store %arg12[%swap3A_554, %swap3A_555], %get3A_527 {strides = array<i32>} : memref<16x128xf32, #tpu.memory_space<vmem>>, vector<16xf32>,
        %add3A_557 = arith.constant 14 : i32
        %add3A_558 = arith.addi %add3A_54, %add3A_557 : i32
        %slice3A_559 = vector.extract_strided_slice %get3A_55 {offsets = [14], sizes = [1], strides = [1]} : vector<16xi32> to vector<1xi32>
        %squeeze3A_560 = vector.extract %slice3A_559[0] : i32 from vector<1xi32>
        %get3A_561 = arith.index_cast %add3A_558 : i32 to index
        %get3A_562 = arith.index_cast %squeeze3A_560 : i32 to index
        %get3A_563 = tpu.vector_load %arg11[%get3A_561, %get3A_562] {strides = array<i32>} : memref<128x128xf32, #tpu.memory_space<vmem>>, vector<16xf32>,
        %jit3A_564 = arith.constant 8 : i32
        %div3A_565 = arith.divsi %add3A_54, %jit3A_564 : i32
        %sign3A_566 = arith.constant 0 : i32
        %sign3A_567 = arith.cmpi sgt, %add3A_54, %sign3A_566 : i32
        %sign3A_568 = arith.extui %sign3A_567 : i1 to i32
        %sign3A_569 = arith.constant 0 : i32
        %sign3A_570 = arith.cmpi slt, %add3A_54, %sign3A_569 : i32
        %sign3A_571 = arith.extui %sign3A_570 : i1 to i32
        %sign3A_572 = arith.subi %sign3A_568, %sign3A_571 : i32
        %sign3A_573 = arith.constant 0 : i32
        %sign3A_574 = arith.cmpi sgt, %jit3A_564, %sign3A_573 : i32
        %sign3A_575 = arith.extui %sign3A_574 : i1 to i32
        %sign3A_576 = arith.constant 0 : i32
        %sign3A_577 = arith.cmpi slt, %jit3A_564, %sign3A_576 : i32
        %sign3A_578 = arith.extui %sign3A_577 : i1 to i32
        %sign3A_579 = arith.subi %sign3A_575, %sign3A_578 : i32
        %ne3A_580 = arith.cmpi ne, %sign3A_572, %sign3A_579 : i32
        %rem3A_581 = arith.remsi %add3A_54, %jit3A_564 : i32
        %ne3A_582 = arith.constant 0 : i32
        %ne3A_583 = arith.cmpi ne, %rem3A_581, %ne3A_582 : i32
        %and3A_584 = arith.andi %ne3A_580, %ne3A_583 : i1
        %sub3A_585 = arith.constant 1 : i32
        %sub3A_586 = arith.subi %div3A_565, %sub3A_585 : i32
        %select_n3A_587 = arith.select %and3A_584, %sub3A_586, %div3A_565 : i32
        %add3A_588 = arith.constant 1 : i32
        %add3A_589 = arith.addi %select_n3A_587, %add3A_588 : i32
        %swap3A_590 = arith.index_cast %add3A_589 : i32 to index
        %swap3A_591 = arith.constant 96 : index
        %swap3A_592 = tpu.vector_load %arg12[%swap3A_590, %swap3A_591] {strides = array<i32>} : memref<16x128xf32, #tpu.memory_space<vmem>>, vector<16xf32>,
        tpu.vector_store %arg12[%swap3A_590, %swap3A_591], %get3A_563 {strides = array<i32>} : memref<16x128xf32, #tpu.memory_space<vmem>>, vector<16xf32>,
        %add3A_593 = arith.constant 15 : i32
        %add3A_594 = arith.addi %add3A_54, %add3A_593 : i32
        %slice3A_595 = vector.extract_strided_slice %get3A_55 {offsets = [15], sizes = [1], strides = [1]} : vector<16xi32> to vector<1xi32>
        %squeeze3A_596 = vector.extract %slice3A_595[0] : i32 from vector<1xi32>
        %get3A_597 = arith.index_cast %add3A_594 : i32 to index
        %get3A_598 = arith.index_cast %squeeze3A_596 : i32 to index
        %get3A_599 = tpu.vector_load %arg11[%get3A_597, %get3A_598] {strides = array<i32>} : memref<128x128xf32, #tpu.memory_space<vmem>>, vector<16xf32>,
        %jit3A_600 = arith.constant 8 : i32
        %div3A_601 = arith.divsi %add3A_54, %jit3A_600 : i32
        %sign3A_602 = arith.constant 0 : i32
        %sign3A_603 = arith.cmpi sgt, %add3A_54, %sign3A_602 : i32
        %sign3A_604 = arith.extui %sign3A_603 : i1 to i32
        %sign3A_605 = arith.constant 0 : i32
        %sign3A_606 = arith.cmpi slt, %add3A_54, %sign3A_605 : i32
        %sign3A_607 = arith.extui %sign3A_606 : i1 to i32
        %sign3A_608 = arith.subi %sign3A_604, %sign3A_607 : i32
        %sign3A_609 = arith.constant 0 : i32
        %sign3A_610 = arith.cmpi sgt, %jit3A_600, %sign3A_609 : i32
        %sign3A_611 = arith.extui %sign3A_610 : i1 to i32
        %sign3A_612 = arith.constant 0 : i32
        %sign3A_613 = arith.cmpi slt, %jit3A_600, %sign3A_612 : i32
        %sign3A_614 = arith.extui %sign3A_613 : i1 to i32
        %sign3A_615 = arith.subi %sign3A_611, %sign3A_614 : i32
        %ne3A_616 = arith.cmpi ne, %sign3A_608, %sign3A_615 : i32
        %rem3A_617 = arith.remsi %add3A_54, %jit3A_600 : i32
        %ne3A_618 = arith.constant 0 : i32
        %ne3A_619 = arith.cmpi ne, %rem3A_617, %ne3A_618 : i32
        %and3A_620 = arith.andi %ne3A_616, %ne3A_619 : i1
        %sub3A_621 = arith.constant 1 : i32
        %sub3A_622 = arith.subi %div3A_601, %sub3A_621 : i32
        %select_n3A_623 = arith.select %and3A_620, %sub3A_622, %div3A_601 : i32
        %add3A_624 = arith.constant 1 : i32
        %add3A_625 = arith.addi %select_n3A_623, %add3A_624 : i32
        %swap3A_626 = arith.index_cast %add3A_625 : i32 to index
        %swap3A_627 = arith.constant 112 : index
        %swap3A_628 = tpu.vector_load %arg12[%swap3A_626, %swap3A_627] {strides = array<i32>} : memref<16x128xf32, #tpu.memory_space<vmem>>, vector<16xf32>,
        tpu.vector_store %arg12[%swap3A_626, %swap3A_627], %get3A_599 {strides = array<i32>} : memref<16x128xf32, #tpu.memory_space<vmem>>, vector<16xf32>,
      }
      %scan3A_29 = arith.constant 8 : i32
      %dma_wait3A_30 = arith.constant 0 : i32
      %dma_wait3A_31 = tpu.memref_slice %arg3[%dma_wait3A_30] : memref<1000000xf32, #tpu.memory_space<hbm>> -> memref<1000000xf32, #tpu.memory_space<hbm>>
      tpu.wait_indirect_dma semaphore(%arg15 : memref<!tpu.dma_semaphore, #tpu.memory_space<semaphore_mem>>) src(%dma_wait3A_31 : memref<1000000xf32, #tpu.memory_space<hbm>>) dst(%arg13 : memref<128xf32, #tpu.memory_space<vmem>>)
      %add3A_32 = arith.addi %mul3A_2, %add3A_13 : i32
      %jit3A = arith.constant 8 : i32
      %div3A = arith.divsi %add3A_32, %jit3A : i32
      %sign3A = arith.constant 0 : i32
      %sign3A_33 = arith.cmpi sgt, %add3A_32, %sign3A : i32
      %sign3A_34 = arith.extui %sign3A_33 : i1 to i32
      %sign3A_35 = arith.constant 0 : i32
      %sign3A_36 = arith.cmpi slt, %add3A_32, %sign3A_35 : i32
      %sign3A_37 = arith.extui %sign3A_36 : i1 to i32
      %sign3A_38 = arith.subi %sign3A_34, %sign3A_37 : i32
      %sign3A_39 = arith.constant 0 : i32
      %sign3A_40 = arith.cmpi sgt, %jit3A, %sign3A_39 : i32
      %sign3A_41 = arith.extui %sign3A_40 : i1 to i32
      %sign3A_42 = arith.constant 0 : i32
      %sign3A_43 = arith.cmpi slt, %jit3A, %sign3A_42 : i32
      %sign3A_44 = arith.extui %sign3A_43 : i1 to i32
      %sign3A_45 = arith.subi %sign3A_41, %sign3A_44 : i32
      %ne3A = arith.cmpi ne, %sign3A_38, %sign3A_45 : i32
      %rem3A = arith.remsi %add3A_32, %jit3A : i32
      %ne3A_46 = arith.constant 0 : i32
      %ne3A_47 = arith.cmpi ne, %rem3A, %ne3A_46 : i32
      %and3A = arith.andi %ne3A, %ne3A_47 : i1
      %sub3A = arith.constant 1 : i32
      %sub3A_48 = arith.subi %div3A, %sub3A : i32
      %select_n3A = arith.select %and3A, %sub3A_48, %div3A : i32
      %multiple_of3A = tpu.assume_multiple %select_n3A, 8 : i32
      "tpu.region"() ({
        %run_scoped3A = tpu.sem_alloc : memref<!tpu.dma_semaphore, #tpu.memory_space<semaphore_mem>>
        %dma_start3A_50 = arith.constant 0 : i32
        %dma_start3A_51 = tpu.memref_slice %arg5[%multiple_of3A, %dma_start3A_50] : memref<36864x128xf32, #tpu.memory_space<hbm>> -> memref<16x128xf32, #tpu.memory_space<hbm>>
        %dma_start3A_52 = arith.constant 0 : i32
        %dma_start3A_53 = tpu.memref_slice %arg5[%multiple_of3A, %dma_start3A_52] : memref<36864x128xf32, #tpu.memory_space<hbm>> -> memref<16x128xf32, #tpu.memory_space<hbm>>
        tpu.enqueue_dma source(%arg12 : memref<16x128xf32, #tpu.memory_space<vmem>>) target(%dma_start3A_53 : memref<16x128xf32, #tpu.memory_space<hbm>>) target_semaphore(%run_scoped3A : memref<!tpu.dma_semaphore, #tpu.memory_space<semaphore_mem>>)
        %dma_wait3A_54 = arith.constant 0 : i32
        %dma_wait3A_55 = tpu.memref_slice %arg5[%multiple_of3A, %dma_wait3A_54] : memref<36864x128xf32, #tpu.memory_space<hbm>> -> memref<16x128xf32, #tpu.memory_space<hbm>>
        %dma_wait3A_56 = arith.constant 0 : i32
        %dma_wait3A_57 = tpu.memref_slice %arg5[%multiple_of3A, %dma_wait3A_56] : memref<36864x128xf32, #tpu.memory_space<hbm>> -> memref<16x128xf32, #tpu.memory_space<hbm>>
        tpu.wait_dma2 semaphore(%run_scoped3A : memref<!tpu.dma_semaphore, #tpu.memory_space<semaphore_mem>>) src(%arg12 : memref<16x128xf32, #tpu.memory_space<vmem>>) dst(%dma_wait3A_57 : memref<16x128xf32, #tpu.memory_space<hbm>>)
        tpu.yield
      }) : () -> ()
      %add3A_49 = arith.addi %mul3A_2, %add3A_13 : i32
      "tpu.region"() ({
        %run_scoped3A = tpu.sem_alloc : memref<!tpu.dma_semaphore, #tpu.memory_space<semaphore_mem>>
        %dma_start3A_50 = tpu.memref_slice %arg6[%add3A_49] : memref<294912xf32, #tpu.memory_space<hbm>> -> memref<128xf32, #tpu.memory_space<hbm>>
        %dma_start3A_51 = tpu.memref_slice %arg6[%add3A_49] : memref<294912xf32, #tpu.memory_space<hbm>> -> memref<128xf32, #tpu.memory_space<hbm>>
        tpu.enqueue_dma source(%arg13 : memref<128xf32, #tpu.memory_space<vmem>>) target(%dma_start3A_51 : memref<128xf32, #tpu.memory_space<hbm>>) target_semaphore(%run_scoped3A : memref<!tpu.dma_semaphore, #tpu.memory_space<semaphore_mem>>)
        %dma_wait3A_52 = tpu.memref_slice %arg6[%add3A_49] : memref<294912xf32, #tpu.memory_space<hbm>> -> memref<128xf32, #tpu.memory_space<hbm>>
        %dma_wait3A_53 = tpu.memref_slice %arg6[%add3A_49] : memref<294912xf32, #tpu.memory_space<hbm>> -> memref<128xf32, #tpu.memory_space<hbm>>
        tpu.wait_dma2 semaphore(%run_scoped3A : memref<!tpu.dma_semaphore, #tpu.memory_space<semaphore_mem>>) src(%arg13 : memref<128xf32, #tpu.memory_space<vmem>>) dst(%dma_wait3A_53 : memref<128xf32, #tpu.memory_space<hbm>>)
        tpu.yield
      }) : () -> ()
    }
    %scan3A_8 = arith.constant 72 : i32
    return
  }
}

module attributes {stable_mosaic.version = 14 : i64} {
  func.func @_tc_body(%arg0: i32, %arg1: memref<1024x288xf32, #tpu.memory_space<vmem>>, %arg2: memref<1024x18xf32, #tpu.memory_space<vmem>>, %arg3: memref<1024x18xf32, #tpu.memory_space<vmem>>, %arg4: memref<1x1xf32, #tpu.memory_space<vmem>>, %arg5: memref<288x256xf32, #tpu.memory_space<vmem>>, %arg6: memref<1x256xf32, #tpu.memory_space<vmem>>, %arg7: memref<256x128xf32, #tpu.memory_space<vmem>>, %arg8: memref<1x128xf32, #tpu.memory_space<vmem>>, %arg9: memref<128x64xf32, #tpu.memory_space<vmem>>, %arg10: memref<1x64xf32, #tpu.memory_space<vmem>>, %arg11: memref<1x256xf32, #tpu.memory_space<vmem>>, %arg12: memref<1x256xf32, #tpu.memory_space<vmem>>, %arg13: memref<1x256xf32, #tpu.memory_space<vmem>>, %arg14: memref<1x256xf32, #tpu.memory_space<vmem>>, %arg15: memref<1x128xf32, #tpu.memory_space<vmem>>, %arg16: memref<1x128xf32, #tpu.memory_space<vmem>>, %arg17: memref<1x128xf32, #tpu.memory_space<vmem>>, %arg18: memref<1x128xf32, #tpu.memory_space<vmem>>, %arg19: memref<1x64xf32, #tpu.memory_space<vmem>>, %arg20: memref<1x64xf32, #tpu.memory_space<vmem>>, %arg21: memref<1x64xf32, #tpu.memory_space<vmem>>, %arg22: memref<1x64xf32, #tpu.memory_space<vmem>>, %arg23: memref<1024x66xf32, #tpu.memory_space<vmem>>) attributes {dimension_semantics = [#tpu.dimension_semantics<arbitrary>], iteration_bounds = array<i64: 16>, scalar_prefetch = 0 : i64, scratch_operands = 0 : i64, tpu.core_type = #tpu.core_type<tc>, window_params = [{transform_indices = @transform_0, window_bounds = array<i64: 1024, 288>}, {transform_indices = @transform_1, window_bounds = array<i64: 1024, 18>}, {transform_indices = @transform_2, window_bounds = array<i64: 1024, 18>}, {pipeline_mode = #tpu.pipeline_mode<synchronous>, transform_indices = @transform_3, window_bounds = array<i64: 1, 1>}, {pipeline_mode = #tpu.pipeline_mode<synchronous>, transform_indices = @transform_4, window_bounds = array<i64: 288, 256>}, {pipeline_mode = #tpu.pipeline_mode<synchronous>, transform_indices = @transform_5, window_bounds = array<i64: 1, 256>}, {pipeline_mode = #tpu.pipeline_mode<synchronous>, transform_indices = @transform_6, window_bounds = array<i64: 256, 128>}, {pipeline_mode = #tpu.pipeline_mode<synchronous>, transform_indices = @transform_7, window_bounds = array<i64: 1, 128>}, {pipeline_mode = #tpu.pipeline_mode<synchronous>, transform_indices = @transform_8, window_bounds = array<i64: 128, 64>}, {pipeline_mode = #tpu.pipeline_mode<synchronous>, transform_indices = @transform_9, window_bounds = array<i64: 1, 64>}, {pipeline_mode = #tpu.pipeline_mode<synchronous>, transform_indices = @transform_10, window_bounds = array<i64: 1, 256>}, {pipeline_mode = #tpu.pipeline_mode<synchronous>, transform_indices = @transform_11, window_bounds = array<i64: 1, 256>}, {pipeline_mode = #tpu.pipeline_mode<synchronous>, transform_indices = @transform_12, window_bounds = array<i64: 1, 256>}, {pipeline_mode = #tpu.pipeline_mode<synchronous>, transform_indices = @transform_13, window_bounds = array<i64: 1, 256>}, {pipeline_mode = #tpu.pipeline_mode<synchronous>, transform_indices = @transform_14, window_bounds = array<i64: 1, 128>}, {pipeline_mode = #tpu.pipeline_mode<synchronous>, transform_indices = @transform_15, window_bounds = array<i64: 1, 128>}, {pipeline_mode = #tpu.pipeline_mode<synchronous>, transform_indices = @transform_16, window_bounds = array<i64: 1, 128>}, {pipeline_mode = #tpu.pipeline_mode<synchronous>, transform_indices = @transform_17, window_bounds = array<i64: 1, 128>}, {pipeline_mode = #tpu.pipeline_mode<synchronous>, transform_indices = @transform_18, window_bounds = array<i64: 1, 64>}, {pipeline_mode = #tpu.pipeline_mode<synchronous>, transform_indices = @transform_19, window_bounds = array<i64: 1, 64>}, {pipeline_mode = #tpu.pipeline_mode<synchronous>, transform_indices = @transform_20, window_bounds = array<i64: 1, 64>}, {pipeline_mode = #tpu.pipeline_mode<synchronous>, transform_indices = @transform_21, window_bounds = array<i64: 1, 64>}, {transform_indices = @transform_22, window_bounds = array<i64: 1024, 66>}]} {
    %get3A = arith.constant 0 : index
    %get3A_0 = arith.constant 0 : index
    %get3A_1 = vector.load %arg1[%get3A, %get3A_0] : memref<1024x288xf32, #tpu.memory_space<vmem>>, vector<1024x288xf32>
    %get3A_2 = arith.constant 0 : index
    %get3A_3 = arith.constant 0 : index
    %get3A_4 = vector.load %arg2[%get3A_2, %get3A_3] : memref<1024x18xf32, #tpu.memory_space<vmem>>, vector<1024x18xf32>
    %get3A_5 = arith.constant 0 : index
    %get3A_6 = arith.constant 0 : index
    %get3A_7 = vector.load %arg3[%get3A_5, %get3A_6] : memref<1024x18xf32, #tpu.memory_space<vmem>>, vector<1024x18xf32>
    %iota3A = tpu.iota {dimensions = array<i32: 1>} : vector<18x288xi32>
    %jit3A = arith.constant 16 : i32
    %div3A = vector.broadcast %jit3A : i32 to vector<18x288xi32>
    %div3A_8 = arith.divsi %iota3A, %div3A : vector<18x288xi32>
    %sign3A = arith.constant 0 : i32
    %sign3A_9 = vector.broadcast %sign3A : i32 to vector<18x288xi32>
    %sign3A_10 = arith.cmpi sgt, %iota3A, %sign3A_9 : vector<18x288xi32>
    %sign3A_11 = arith.extui %sign3A_10 : vector<18x288xi1> to vector<18x288xi32>
    %sign3A_12 = arith.constant 0 : i32
    %sign3A_13 = vector.broadcast %sign3A_12 : i32 to vector<18x288xi32>
    %sign3A_14 = arith.cmpi slt, %iota3A, %sign3A_13 : vector<18x288xi32>
    %sign3A_15 = arith.extui %sign3A_14 : vector<18x288xi1> to vector<18x288xi32>
    %sign3A_16 = arith.subi %sign3A_11, %sign3A_15 : vector<18x288xi32>
    %sign3A_17 = arith.constant 0 : i32
    %sign3A_18 = arith.cmpi sgt, %jit3A, %sign3A_17 : i32
    %sign3A_19 = arith.extui %sign3A_18 : i1 to i32
    %sign3A_20 = arith.constant 0 : i32
    %sign3A_21 = arith.cmpi slt, %jit3A, %sign3A_20 : i32
    %sign3A_22 = arith.extui %sign3A_21 : i1 to i32
    %sign3A_23 = arith.subi %sign3A_19, %sign3A_22 : i32
    %ne3A = vector.broadcast %sign3A_23 : i32 to vector<18x288xi32>
    %ne3A_24 = arith.cmpi ne, %sign3A_16, %ne3A : vector<18x288xi32>
    %rem3A = vector.broadcast %jit3A : i32 to vector<18x288xi32>
    %rem3A_25 = arith.remsi %iota3A, %rem3A : vector<18x288xi32>
    %ne3A_26 = arith.constant 0 : i32
    %ne3A_27 = vector.broadcast %ne3A_26 : i32 to vector<18x288xi32>
    %ne3A_28 = arith.cmpi ne, %rem3A_25, %ne3A_27 : vector<18x288xi32>
    %and3A = arith.andi %ne3A_24, %ne3A_28 : vector<18x288xi1>
    %sub3A = arith.constant 1 : i32
    %sub3A_29 = vector.broadcast %sub3A : i32 to vector<18x288xi32>
    %sub3A_30 = arith.subi %div3A_8, %sub3A_29 : vector<18x288xi32>
    %select_n3A = arith.select %and3A, %sub3A_30, %div3A_8 : vector<18x288xi1>, vector<18x288xi32>
    %iota3A_31 = tpu.iota {dimensions = array<i32: 0>} : vector<18x288xi32>
    %eq3A = arith.cmpi eq, %select_n3A, %iota3A_31 : vector<18x288xi32>
    %convert_element_type3A = arith.extui %eq3A : vector<18x288xi1> to vector<18x288xi32>
    %convert_element_type3A_32 = arith.sitofp %convert_element_type3A : vector<18x288xi32> to vector<18x288xf32>
    %dot_general3A = arith.constant dense<0.000000e+00> : vector<1024x288xf32>
    %dot_general3A_33 = tpu.matmul %get3A_4, %convert_element_type3A_32, %dot_general3A {dimension_numbers = #tpu.dot_dimension_numbers<[1], [0], [0], [1], [0, 0, 1, 1], [], []>, transpose_lhs_hint = false} : vector<1024x18xf32>, vector<18x288xf32>, vector<1024x288xf32> -> vector<1024x288xf32>
    %mul3A = arith.mulf %dot_general3A_33, %get3A_1 : vector<1024x288xf32>
    %transpose3A = tpu.transpose %convert_element_type3A_32, [1, 0] : vector<18x288xf32> -> vector<288x18xf32>
    %dot_general3A_34 = arith.constant dense<0.000000e+00> : vector<1024x18xf32>
    %dot_general3A_35 = tpu.matmul %mul3A, %transpose3A, %dot_general3A_34 {dimension_numbers = #tpu.dot_dimension_numbers<[1], [0], [0], [1], [0, 0, 1, 1], [], []>, transpose_lhs_hint = false} : vector<1024x288xf32>, vector<288x18xf32>, vector<1024x18xf32> -> vector<1024x18xf32>
    %mul3A_36 = arith.mulf %mul3A, %mul3A : vector<1024x288xf32>
    %dot_general3A_37 = arith.constant dense<0.000000e+00> : vector<1024x18xf32>
    %dot_general3A_38 = tpu.matmul %mul3A_36, %transpose3A, %dot_general3A_37 {dimension_numbers = #tpu.dot_dimension_numbers<[1], [0], [0], [1], [0, 0, 1, 1], [], []>, transpose_lhs_hint = false} : vector<1024x288xf32>, vector<288x18xf32>, vector<1024x18xf32> -> vector<1024x18xf32>
    %mul3A_39 = arith.mulf %dot_general3A_35, %dot_general3A_35 : vector<1024x18xf32>
    %sub3A_40 = arith.subf %mul3A_39, %dot_general3A_38 : vector<1024x18xf32>
    %reduce_sum3A = arith.constant dense<0.000000e+00> : vector<1024xf32>
    %reduce_sum3A_41 = vector.multi_reduction <add>, %sub3A_40, %reduce_sum3A [1] : vector<1024x18xf32> to vector<1024xf32>
    %broadcast_in_dim3A = vector.shape_cast %reduce_sum3A_41 : vector<1024xf32> to vector<1024x1xf32>
    %mul3A_42 = arith.constant 5.000000e-01 : f32
    %mul3A_43 = vector.broadcast %mul3A_42 : f32 to vector<1024x1xf32>
    %mul3A_44 = arith.mulf %mul3A_43, %broadcast_in_dim3A : vector<1024x1xf32>
    %mul3A_45 = arith.mulf %get3A_7, %get3A_4 : vector<1024x18xf32>
    %reduce_sum3A_46 = arith.constant dense<0.000000e+00> : vector<1024xf32>
    %reduce_sum3A_47 = vector.multi_reduction <add>, %mul3A_45, %reduce_sum3A_46 [1] : vector<1024x18xf32> to vector<1024xf32>
    %broadcast_in_dim3A_48 = vector.shape_cast %reduce_sum3A_47 : vector<1024xf32> to vector<1024x1xf32>
    %get3A_49 = arith.constant 0 : index
    %get3A_50 = arith.constant 0 : index
    %get3A_51 = vector.load %arg4[%get3A_49, %get3A_50] : memref<1x1xf32, #tpu.memory_space<vmem>>, vector<1x1xf32>
    %get3A_52 = vector.extract %get3A_51[0, 0] : f32 from vector<1x1xf32>
    %add3A = vector.broadcast %get3A_52 : f32 to vector<1024x1xf32>
    %add3A_53 = arith.addf %broadcast_in_dim3A_48, %add3A : vector<1024x1xf32>
    %get3A_54 = arith.constant 0 : index
    %get3A_55 = arith.constant 0 : index
    %get3A_56 = vector.load %arg5[%get3A_54, %get3A_55] : memref<288x256xf32, #tpu.memory_space<vmem>>, vector<288x256xf32>
    %dot_general3A_57 = arith.constant dense<0.000000e+00> : vector<1024x256xf32>
    %dot_general3A_58 = tpu.matmul %mul3A, %get3A_56, %dot_general3A_57 {dimension_numbers = #tpu.dot_dimension_numbers<[1], [0], [0], [1], [0, 0, 1, 1], [], []>, transpose_lhs_hint = false} : vector<1024x288xf32>, vector<288x256xf32>, vector<1024x256xf32> -> vector<1024x256xf32>
    %get3A_59 = arith.constant 0 : index
    %get3A_60 = arith.constant 0 : index
    %get3A_61 = vector.load %arg6[%get3A_59, %get3A_60] : memref<1x256xf32, #tpu.memory_space<vmem>>, vector<1x256xf32>
    %add3A_62 = vector.broadcast %get3A_61 : vector<1x256xf32> to vector<1024x256xf32>
    %add3A_63 = arith.addf %dot_general3A_58, %add3A_62 : vector<1024x256xf32>
    %get3A_64 = arith.constant 0 : index
    %get3A_65 = arith.constant 0 : index
    %get3A_66 = vector.load %arg13[%get3A_64, %get3A_65] : memref<1x256xf32, #tpu.memory_space<vmem>>, vector<1x256xf32>
    %sub3A_67 = vector.broadcast %get3A_66 : vector<1x256xf32> to vector<1024x256xf32>
    %sub3A_68 = arith.subf %add3A_63, %sub3A_67 : vector<1024x256xf32>
    %get3A_69 = arith.constant 0 : index
    %get3A_70 = arith.constant 0 : index
    %get3A_71 = vector.load %arg14[%get3A_69, %get3A_70] : memref<1x256xf32, #tpu.memory_space<vmem>>, vector<1x256xf32>
    %add3A_72 = arith.constant 1.000000e-03 : f32
    %add3A_73 = vector.broadcast %add3A_72 : f32 to vector<1x256xf32>
    %add3A_74 = arith.addf %get3A_71, %add3A_73 : vector<1x256xf32>
    %rsqrt3A = math.rsqrt %add3A_74 : vector<1x256xf32>
    %mul3A_75 = vector.broadcast %rsqrt3A : vector<1x256xf32> to vector<1024x256xf32>
    %mul3A_76 = arith.mulf %sub3A_68, %mul3A_75 : vector<1024x256xf32>
    %get3A_77 = arith.constant 0 : index
    %get3A_78 = arith.constant 0 : index
    %get3A_79 = vector.load %arg11[%get3A_77, %get3A_78] : memref<1x256xf32, #tpu.memory_space<vmem>>, vector<1x256xf32>
    %mul3A_80 = vector.broadcast %get3A_79 : vector<1x256xf32> to vector<1024x256xf32>
    %mul3A_81 = arith.mulf %mul3A_76, %mul3A_80 : vector<1024x256xf32>
    %get3A_82 = arith.constant 0 : index
    %get3A_83 = arith.constant 0 : index
    %get3A_84 = vector.load %arg12[%get3A_82, %get3A_83] : memref<1x256xf32, #tpu.memory_space<vmem>>, vector<1x256xf32>
    %add3A_85 = vector.broadcast %get3A_84 : vector<1x256xf32> to vector<1024x256xf32>
    %add3A_86 = arith.addf %mul3A_81, %add3A_85 : vector<1024x256xf32>
    %max3A = arith.constant 0.000000e+00 : f32
    %max3A_87 = vector.broadcast %max3A : f32 to vector<1024x256xf32>
    %max3A_88 = arith.maximumf %add3A_86, %max3A_87 : vector<1024x256xf32>
    %get3A_89 = arith.constant 0 : index
    %get3A_90 = arith.constant 0 : index
    %get3A_91 = vector.load %arg7[%get3A_89, %get3A_90] : memref<256x128xf32, #tpu.memory_space<vmem>>, vector<256x128xf32>
    %dot_general3A_92 = arith.constant dense<0.000000e+00> : vector<1024x128xf32>
    %dot_general3A_93 = tpu.matmul %max3A_88, %get3A_91, %dot_general3A_92 {dimension_numbers = #tpu.dot_dimension_numbers<[1], [0], [0], [1], [0, 0, 1, 1], [], []>, transpose_lhs_hint = false} : vector<1024x256xf32>, vector<256x128xf32>, vector<1024x128xf32> -> vector<1024x128xf32>
    %get3A_94 = arith.constant 0 : index
    %get3A_95 = arith.constant 0 : index
    %get3A_96 = vector.load %arg8[%get3A_94, %get3A_95] : memref<1x128xf32, #tpu.memory_space<vmem>>, vector<1x128xf32>
    %add3A_97 = vector.broadcast %get3A_96 : vector<1x128xf32> to vector<1024x128xf32>
    %add3A_98 = arith.addf %dot_general3A_93, %add3A_97 : vector<1024x128xf32>
    %get3A_99 = arith.constant 0 : index
    %get3A_100 = arith.constant 0 : index
    %get3A_101 = vector.load %arg17[%get3A_99, %get3A_100] : memref<1x128xf32, #tpu.memory_space<vmem>>, vector<1x128xf32>
    %sub3A_102 = vector.broadcast %get3A_101 : vector<1x128xf32> to vector<1024x128xf32>
    %sub3A_103 = arith.subf %add3A_98, %sub3A_102 : vector<1024x128xf32>
    %get3A_104 = arith.constant 0 : index
    %get3A_105 = arith.constant 0 : index
    %get3A_106 = vector.load %arg18[%get3A_104, %get3A_105] : memref<1x128xf32, #tpu.memory_space<vmem>>, vector<1x128xf32>
    %add3A_107 = arith.constant 1.000000e-03 : f32
    %add3A_108 = vector.broadcast %add3A_107 : f32 to vector<1x128xf32>
    %add3A_109 = arith.addf %get3A_106, %add3A_108 : vector<1x128xf32>
    %rsqrt3A_110 = math.rsqrt %add3A_109 : vector<1x128xf32>
    %mul3A_111 = vector.broadcast %rsqrt3A_110 : vector<1x128xf32> to vector<1024x128xf32>
    %mul3A_112 = arith.mulf %sub3A_103, %mul3A_111 : vector<1024x128xf32>
    %get3A_113 = arith.constant 0 : index
    %get3A_114 = arith.constant 0 : index
    %get3A_115 = vector.load %arg15[%get3A_113, %get3A_114] : memref<1x128xf32, #tpu.memory_space<vmem>>, vector<1x128xf32>
    %mul3A_116 = vector.broadcast %get3A_115 : vector<1x128xf32> to vector<1024x128xf32>
    %mul3A_117 = arith.mulf %mul3A_112, %mul3A_116 : vector<1024x128xf32>
    %get3A_118 = arith.constant 0 : index
    %get3A_119 = arith.constant 0 : index
    %get3A_120 = vector.load %arg16[%get3A_118, %get3A_119] : memref<1x128xf32, #tpu.memory_space<vmem>>, vector<1x128xf32>
    %add3A_121 = vector.broadcast %get3A_120 : vector<1x128xf32> to vector<1024x128xf32>
    %add3A_122 = arith.addf %mul3A_117, %add3A_121 : vector<1024x128xf32>
    %max3A_123 = arith.constant 0.000000e+00 : f32
    %max3A_124 = vector.broadcast %max3A_123 : f32 to vector<1024x128xf32>
    %max3A_125 = arith.maximumf %add3A_122, %max3A_124 : vector<1024x128xf32>
    %get3A_126 = arith.constant 0 : index
    %get3A_127 = arith.constant 0 : index
    %get3A_128 = vector.load %arg9[%get3A_126, %get3A_127] : memref<128x64xf32, #tpu.memory_space<vmem>>, vector<128x64xf32>
    %dot_general3A_129 = arith.constant dense<0.000000e+00> : vector<1024x64xf32>
    %dot_general3A_130 = tpu.matmul %max3A_125, %get3A_128, %dot_general3A_129 {dimension_numbers = #tpu.dot_dimension_numbers<[1], [0], [0], [1], [0, 0, 1, 1], [], []>, transpose_lhs_hint = false} : vector<1024x128xf32>, vector<128x64xf32>, vector<1024x64xf32> -> vector<1024x64xf32>
    %get3A_131 = arith.constant 0 : index
    %get3A_132 = arith.constant 0 : index
    %get3A_133 = vector.load %arg10[%get3A_131, %get3A_132] : memref<1x64xf32, #tpu.memory_space<vmem>>, vector<1x64xf32>
    %add3A_134 = vector.broadcast %get3A_133 : vector<1x64xf32> to vector<1024x64xf32>
    %add3A_135 = arith.addf %dot_general3A_130, %add3A_134 : vector<1024x64xf32>
    %get3A_136 = arith.constant 0 : index
    %get3A_137 = arith.constant 0 : index
    %get3A_138 = vector.load %arg21[%get3A_136, %get3A_137] : memref<1x64xf32, #tpu.memory_space<vmem>>, vector<1x64xf32>
    %sub3A_139 = vector.broadcast %get3A_138 : vector<1x64xf32> to vector<1024x64xf32>
    %sub3A_140 = arith.subf %add3A_135, %sub3A_139 : vector<1024x64xf32>
    %get3A_141 = arith.constant 0 : index
    %get3A_142 = arith.constant 0 : index
    %get3A_143 = vector.load %arg22[%get3A_141, %get3A_142] : memref<1x64xf32, #tpu.memory_space<vmem>>, vector<1x64xf32>
    %add3A_144 = arith.constant 1.000000e-03 : f32
    %add3A_145 = vector.broadcast %add3A_144 : f32 to vector<1x64xf32>
    %add3A_146 = arith.addf %get3A_143, %add3A_145 : vector<1x64xf32>
    %rsqrt3A_147 = math.rsqrt %add3A_146 : vector<1x64xf32>
    %mul3A_148 = vector.broadcast %rsqrt3A_147 : vector<1x64xf32> to vector<1024x64xf32>
    %mul3A_149 = arith.mulf %sub3A_140, %mul3A_148 : vector<1024x64xf32>
    %get3A_150 = arith.constant 0 : index
    %get3A_151 = arith.constant 0 : index
    %get3A_152 = vector.load %arg19[%get3A_150, %get3A_151] : memref<1x64xf32, #tpu.memory_space<vmem>>, vector<1x64xf32>
    %mul3A_153 = vector.broadcast %get3A_152 : vector<1x64xf32> to vector<1024x64xf32>
    %mul3A_154 = arith.mulf %mul3A_149, %mul3A_153 : vector<1024x64xf32>
    %get3A_155 = arith.constant 0 : index
    %get3A_156 = arith.constant 0 : index
    %get3A_157 = vector.load %arg20[%get3A_155, %get3A_156] : memref<1x64xf32, #tpu.memory_space<vmem>>, vector<1x64xf32>
    %add3A_158 = vector.broadcast %get3A_157 : vector<1x64xf32> to vector<1024x64xf32>
    %add3A_159 = arith.addf %mul3A_154, %add3A_158 : vector<1024x64xf32>
    %swap3A = arith.constant 0 : index
    %swap3A_160 = arith.constant 0 : index
    %swap3A_161 = vector.load %arg23[%swap3A, %swap3A_160] : memref<1024x66xf32, #tpu.memory_space<vmem>>, vector<1024x1xf32>
    tpu.vector_store %arg23[%swap3A, %swap3A_160], %add3A_53 {strides = array<i32>} : memref<1024x66xf32, #tpu.memory_space<vmem>>, vector<1024x1xf32>,
    %swap3A_162 = arith.constant 0 : index
    %swap3A_163 = arith.constant 1 : index
    %swap3A_164 = vector.load %arg23[%swap3A_162, %swap3A_163] : memref<1024x66xf32, #tpu.memory_space<vmem>>, vector<1024x1xf32>
    tpu.vector_store %arg23[%swap3A_162, %swap3A_163], %mul3A_44 {strides = array<i32>} : memref<1024x66xf32, #tpu.memory_space<vmem>>, vector<1024x1xf32>,
    %swap3A_165 = arith.constant 0 : index
    %swap3A_166 = arith.constant 2 : index
    %swap3A_167 = vector.load %arg23[%swap3A_165, %swap3A_166] : memref<1024x66xf32, #tpu.memory_space<vmem>>, vector<1024x64xf32>
    tpu.vector_store %arg23[%swap3A_165, %swap3A_166], %add3A_159 {strides = array<i32>} : memref<1024x66xf32, #tpu.memory_space<vmem>>, vector<1024x64xf32>,
    return
  }
  func.func @transform_0(%arg0: i32) -> (i32, i32) {
    %c0_i32 = arith.constant 0 : i32
    %c0_i32_0 = arith.constant 0 : i32
    return %arg0, %c0_i32 : i32, i32
  }
  func.func @transform_1(%arg0: i32) -> (i32, i32) {
    %c0_i32 = arith.constant 0 : i32
    %c0_i32_0 = arith.constant 0 : i32
    return %arg0, %c0_i32 : i32, i32
  }
  func.func @transform_2(%arg0: i32) -> (i32, i32) {
    %c0_i32 = arith.constant 0 : i32
    %c0_i32_0 = arith.constant 0 : i32
    return %arg0, %c0_i32 : i32, i32
  }
  func.func @transform_3(%arg0: i32) -> (i32, i32) {
    %c0_i32 = arith.constant 0 : i32
    %c0_i32_0 = arith.constant 0 : i32
    %c0_i32_1 = arith.constant 0 : i32
    return %c0_i32, %c0_i32_0 : i32, i32
  }
  func.func @transform_4(%arg0: i32) -> (i32, i32) {
    %c0_i32 = arith.constant 0 : i32
    %c0_i32_0 = arith.constant 0 : i32
    %c0_i32_1 = arith.constant 0 : i32
    return %c0_i32, %c0_i32_0 : i32, i32
  }
  func.func @transform_5(%arg0: i32) -> (i32, i32) {
    %c0_i32 = arith.constant 0 : i32
    %c0_i32_0 = arith.constant 0 : i32
    %c0_i32_1 = arith.constant 0 : i32
    return %c0_i32, %c0_i32_0 : i32, i32
  }
  func.func @transform_6(%arg0: i32) -> (i32, i32) {
    %c0_i32 = arith.constant 0 : i32
    %c0_i32_0 = arith.constant 0 : i32
    %c0_i32_1 = arith.constant 0 : i32
    return %c0_i32, %c0_i32_0 : i32, i32
  }
  func.func @transform_7(%arg0: i32) -> (i32, i32) {
    %c0_i32 = arith.constant 0 : i32
    %c0_i32_0 = arith.constant 0 : i32
    %c0_i32_1 = arith.constant 0 : i32
    return %c0_i32, %c0_i32_0 : i32, i32
  }
  func.func @transform_8(%arg0: i32) -> (i32, i32) {
    %c0_i32 = arith.constant 0 : i32
    %c0_i32_0 = arith.constant 0 : i32
    %c0_i32_1 = arith.constant 0 : i32
    return %c0_i32, %c0_i32_0 : i32, i32
  }
  func.func @transform_9(%arg0: i32) -> (i32, i32) {
    %c0_i32 = arith.constant 0 : i32
    %c0_i32_0 = arith.constant 0 : i32
    %c0_i32_1 = arith.constant 0 : i32
    return %c0_i32, %c0_i32_0 : i32, i32
  }
  func.func @transform_10(%arg0: i32) -> (i32, i32) {
    %c0_i32 = arith.constant 0 : i32
    %c0_i32_0 = arith.constant 0 : i32
    %c0_i32_1 = arith.constant 0 : i32
    return %c0_i32, %c0_i32_0 : i32, i32
  }
  func.func @transform_11(%arg0: i32) -> (i32, i32) {
    %c0_i32 = arith.constant 0 : i32
    %c0_i32_0 = arith.constant 0 : i32
    %c0_i32_1 = arith.constant 0 : i32
    return %c0_i32, %c0_i32_0 : i32, i32
  }
  func.func @transform_12(%arg0: i32) -> (i32, i32) {
    %c0_i32 = arith.constant 0 : i32
    %c0_i32_0 = arith.constant 0 : i32
    %c0_i32_1 = arith.constant 0 : i32
    return %c0_i32, %c0_i32_0 : i32, i32
  }
  func.func @transform_13(%arg0: i32) -> (i32, i32) {
    %c0_i32 = arith.constant 0 : i32
    %c0_i32_0 = arith.constant 0 : i32
    %c0_i32_1 = arith.constant 0 : i32
    return %c0_i32, %c0_i32_0 : i32, i32
  }
  func.func @transform_14(%arg0: i32) -> (i32, i32) {
    %c0_i32 = arith.constant 0 : i32
    %c0_i32_0 = arith.constant 0 : i32
    %c0_i32_1 = arith.constant 0 : i32
    return %c0_i32, %c0_i32_0 : i32, i32
  }
  func.func @transform_15(%arg0: i32) -> (i32, i32) {
    %c0_i32 = arith.constant 0 : i32
    %c0_i32_0 = arith.constant 0 : i32
    %c0_i32_1 = arith.constant 0 : i32
    return %c0_i32, %c0_i32_0 : i32, i32
  }
  func.func @transform_16(%arg0: i32) -> (i32, i32) {
    %c0_i32 = arith.constant 0 : i32
    %c0_i32_0 = arith.constant 0 : i32
    %c0_i32_1 = arith.constant 0 : i32
    return %c0_i32, %c0_i32_0 : i32, i32
  }
  func.func @transform_17(%arg0: i32) -> (i32, i32) {
    %c0_i32 = arith.constant 0 : i32
    %c0_i32_0 = arith.constant 0 : i32
    %c0_i32_1 = arith.constant 0 : i32
    return %c0_i32, %c0_i32_0 : i32, i32
  }
  func.func @transform_18(%arg0: i32) -> (i32, i32) {
    %c0_i32 = arith.constant 0 : i32
    %c0_i32_0 = arith.constant 0 : i32
    %c0_i32_1 = arith.constant 0 : i32
    return %c0_i32, %c0_i32_0 : i32, i32
  }
  func.func @transform_19(%arg0: i32) -> (i32, i32) {
    %c0_i32 = arith.constant 0 : i32
    %c0_i32_0 = arith.constant 0 : i32
    %c0_i32_1 = arith.constant 0 : i32
    return %c0_i32, %c0_i32_0 : i32, i32
  }
  func.func @transform_20(%arg0: i32) -> (i32, i32) {
    %c0_i32 = arith.constant 0 : i32
    %c0_i32_0 = arith.constant 0 : i32
    %c0_i32_1 = arith.constant 0 : i32
    return %c0_i32, %c0_i32_0 : i32, i32
  }
  func.func @transform_21(%arg0: i32) -> (i32, i32) {
    %c0_i32 = arith.constant 0 : i32
    %c0_i32_0 = arith.constant 0 : i32
    %c0_i32_1 = arith.constant 0 : i32
    return %c0_i32, %c0_i32_0 : i32, i32
  }
  func.func @transform_22(%arg0: i32) -> (i32, i32) {
    %c0_i32 = arith.constant 0 : i32
    %c0_i32_0 = arith.constant 0 : i32
    return %arg0, %c0_i32 : i32, i32
  }
}

</mosaic_0001>

<sc_bundles>
// kernel: kernel.4.cloned.1.call-start
scs
__scs_entry_jumppad:
0x0: {  	(pc) =	sbr.rel $0x88, $3  }
0x1: {  	(tag) =	ssettag $0x0;
	lr =	simm.s32 $0x1  }
0x2: {  	[smem:$0x3F8A] =	sst lr;
	_ =	strace $0xD0000000  }
0x3: {  	_ = 	snop  }
0x4: {  	_ = 	snop  }
0x5: {  	_ = 	snop  }
0x6: {  	_ = 	snop  }
0x7: {  	_ = 	snop  }
__scs_overlays_trampoline_lowered:
0x8: {  	[smem:$0x3F99] =	sst s0  }
0x9: {  	[smem:$0x3F9A] =	sst s1  }
0xa: {  	[smem:$0x3F9B] =	sst s2  }
0xb: {  	[smem:$0x3F9C] =	sst s3  }
0xc: {  	[smem:$0x3F9D] =	sst s4  }
0xd: {  	[smem:$0x3F9E] =	sst s5  }
0xe: {  	[smem:$0x3F9F] =	sst s6  }
0xf: {  	[smem:$0x3FA0] =	sst s7  }
0x10: {  	[smem:$0x3FA1] =	sst s8  }
0x11: {  	[smem:$0x3FA2] =	sst s9;
	s0 =	simm.s32 @!p0 $0x0  }
0x12: {  	s1 =	sld [smem:$0x3F88];
	s0 =	simm.s32 @p0 $0x1  }
0x13: {  	[smem:$0x3FA3] =	sst s0;
	s0 =	simm.s32 @!p1 $0x0  }
0x14: {  	s2 =	sld [smem:$0x3F87];
	s0 =	simm.s32 @p1 $0x1  }
0x15: {  	[smem:$0x3FA4] =	sst s0;
	s0 =	simm.s32 @!p2 $0x0  }
0x16: {  	s3 =	sld [smem:$0x3FDB];
	s0 =	simm.s32 @p2 $0x1  }
0x17: {  	s4 =	simm.s32 $0x1BF5;
	[smem:$0x3FA6] =	sst s0  }
0x18: {  	s0 =	sld [smem:$0x3F89];
	_ =	swait.ge [sflag:s4], $0x0  }
0x19: {  	s7 =	sld [smem:$0x3F8A]  }
0x1a: {  	s8 =	sadd.s32 $0xFFFFE003, lr  }
0x1b: {  	s9 =	sadd.s32 $0xFFFFFEF7, lr;
	s5 =	simm.s32 $0xFFFFFFFF;
	p2 =	slt.u32 s8, $0xFFFFF086  }
0x1c: {  	p1 =	slt.u32 s9, $0xF7A;
	s5 =	simm.s32 @!p2 $0x0  }
0x1d: {  	s5 =	simm.s32 @p1 $0x1;
	p0 =	seq.s32 s7, s2  }
0x1e: {  	s7 =	smul.u32 @!p0 $0xF7A, s2;
	p2 =	seq.s32 @!p0 s5, $0x0  }
0x1f: {  	s9 =	smul.u32 $0xF7A, s1;
	s8 =	simm.s32 @!p0 $0x1BF5;
	p2 =	por !p2, p0  }
0x20: {  	[sflag:s8] =	ssyncset.s32 @!p0 $0xFFFFF086;
	s6 =	sadd.s32 @!p0 s3, s7;
	s7 =	simm.s32 @!p0 $0x108  }
0x21: {  	s3 =	sadd.s32 s3, s9;
	s6 =	sadd.s32 @!p0 $0x88, s6;
	s7 =	simm.s32 @p2 $0x1082  }
0x22: {  	[simem:s7], [sflag:s8] =	dma.local @!p0 [hbm:s6], $0xF7A  }
0x23: {  	s9 =	sor.u32 $0xD0000000, s2;
	s6 =	simm.s32 $0x108;
	_ =	swait.ge @!p0 [sflag:s8], $0x0  }
0x24: {  	s3 =	sadd.s32 $0x88, s3;
	s6 =	simm.s32 @!p1 $0x1082;
	[sflag:s4] =	ssyncset.s32 $0xFFFFF086  }
0x25: {  	[simem:s6], [sflag:s4] =	dma.local [hbm:s3], $0xF7A  }
0x26: {  	[smem:$0x3F8A] =	sst s1;
	(tag) =	ssettag s2;
	_ =	strace s9  }
0x27: {  	s1 =	sld [smem:$0x3F9A]  }
0x28: {  	s2 =	sld [smem:$0x3F9B]  }
0x29: {  	s4 =	sld [smem:$0x3F9D]  }
0x2a: {  	p0 =	seq.s32 s5, $0x0;
	s5 =	sld [smem:$0x3F9E]  }
0x2b: {  	s6 =	sld [smem:$0x3F9F]  }
0x2c: {  	s7 =	sld [smem:$0x3FA0]  }
0x2d: {  	s3 =	simm.s32 $0x108;
	s8 =	sld [smem:$0x3FA1]  }
0x2e: {  	s3 =	simm.s32 @!p0 $0x1082;
	s9 =	sld [smem:$0x3FA2]  }
0x2f: {  	lr =	sadd.s32 s0, s3;
	s0 =	sld [smem:$0x3F99]  }
0x30: {  	s3 =	sld [smem:$0x3F9C]  }
0x31: {  	[smem:$0x3FA5] =	sst s10  }
0x32: {  	s10 =	sld [smem:$0x3FA3];
	_ =	sdelay $0x3  }
0x33: {  	p0 =	seq.s32 s10, $0x1;
	s10 =	sld [smem:$0x3FA5];
	_ =	sdelay $0x3  }
0x34: {  	[smem:$0x3FA5] =	sst s10  }
0x35: {  	s10 =	sld [smem:$0x3FA4];
	_ =	sdelay $0x3  }
0x36: {  	p1 =	seq.s32 s10, $0x1;
	s10 =	sld [smem:$0x3FA5];
	_ =	sdelay $0x3  }
0x37: {  	[smem:$0x3FA5] =	sst s10  }
0x38: {  	s10 =	sld [smem:$0x3FA6]  }
0x39: {  	_ = 	snop;
	(pc) =	sbr.ind lr, $3  }
0x3a: {  	_ = 	snop  }
0x3b: {  	_ = 	snop  }
0x3c: {  	p2 =	seq.s32 s10, $0x1;
	s10 =	sld [smem:$0x3FA5]  }
0x3d: {  	_ =	shalt  }
0x3e: {  	_ =	shalt  }
0x3f: {  	_ =	shalt  }
0x40: {  	_ =	shalt  }
0x41: {  	_ =	shalt  }
0x42: {  	_ =	shalt  }
0x43: {  	_ =	shalt  }
0x44: {  	_ =	shalt  }
0x45: {  	_ =	shalt  }
0x46: {  	_ =	shalt  }
0x47: {  	_ =	shalt  }
0x48: {  	_ =	shalt  }
0x49: {  	_ =	shalt  }
0x4a: {  	_ =	shalt  }
0x4b: {  	_ =	shalt  }
0x4c: {  	_ =	shalt  }
0x4d: {  	_ =	shalt  }
0x4e: {  	_ =	shalt  }
0x4f: {  	_ =	shalt  }
0x50: {  	_ =	shalt  }
0x51: {  	_ =	shalt  }
0x52: {  	_ =	shalt  }
0x53: {  	_ =	shalt  }
0x54: {  	_ =	shalt  }
0x55: {  	_ =	shalt  }
0x56: {  	_ =	shalt  }
0x57: {  	_ =	shalt  }
0x58: {  	_ =	shalt  }
0x59: {  	_ =	shalt  }
0x5a: {  	_ =	shalt  }
0x5b: {  	_ =	shalt  }
0x5c: {  	_ =	shalt  }
0x5d: {  	_ =	shalt  }
0x5e: {  	_ =	shalt  }
0x5f: {  	_ =	shalt  }
0x60: {  	_ =	shalt  }
0x61: {  	_ =	shalt  }
0x62: {  	_ =	shalt  }
0x63: {  	_ =	shalt  }
0x64: {  	_ =	shalt  }
0x65: {  	_ =	shalt  }
0x66: {  	_ =	shalt  }
0x67: {  	_ =	shalt  }
0x68: {  	_ =	shalt  }
0x69: {  	_ =	shalt  }
0x6a: {  	_ =	shalt  }
0x6b: {  	_ =	shalt  }
0x6c: {  	_ =	shalt  }
0x6d: {  	_ =	shalt  }
0x6e: {  	_ =	shalt  }
0x6f: {  	_ =	shalt  }
0x70: {  	_ =	shalt  }
0x71: {  	_ =	shalt  }
0x72: {  	_ =	shalt  }
0x73: {  	_ =	shalt  }
0x74: {  	_ =	shalt  }
0x75: {  	_ =	shalt  }
0x76: {  	_ =	shalt  }
0x77: {  	_ =	shalt  }
0x78: {  	_ =	shalt  }
0x79: {  	_ =	shalt  }
0x7a: {  	_ =	shalt  }
0x7b: {  	_ =	shalt  }
0x7c: {  	_ =	shalt  }
0x7d: {  	_ =	shalt  }
0x7e: {  	_ =	shalt  }
0x7f: {  	_ =	shalt  }
0x80: {  	_ =	shalt  }
0x81: {  	_ =	shalt  }
0x82: {  	_ =	shalt  }
0x83: {  	_ =	shalt  }
0x84: {  	_ =	shalt  }
0x85: {  	_ =	shalt  }
0x86: {  	_ =	shalt  }
0x87: {  	_ =	shalt  }
.Lfunc_end0:
.L_simem_size_0:
called_computation_lowered:
.L_overlay_start_0:
0x88: {  	s2 =	sld [smem:$0x3FD9]  }
0x89: {  	s3 =	sld [smem:$0x3FFE];
	_ =	sdelay $0x1  }
0x8a: {  	s1 =	srdreg.scid  }
0x8b: {  	s0 =	sand.u32 $0x1, s1  }
0x8c: {  	s17 =	sshll.u32 s0, $0xA;
	s2 =	sadd.s32 s3, s2  }
0x8d: {  	s2 =	sadd.s32 s2, s17  }
0x8e: {  	[smem:$0x3FB1] =	sst s2  }
0x8f: {  	_ = 	snop  }
0x90: {  	s2 =	sld [smem:$0x3FC6]  }
0x91: {  	s18 =	sld [smem:$0x3FD0];
	(tm) =	ssettm $0x1  }
0x92: {  	s4 =	sld [smem:$0x3FFB];
	_ =	sdelay $0x3  }
0x93: {  	_ =	strace s4  }
0x94: {  	s4 =	sld [smem:$0x3FFC];
	_ =	sdelay $0x3  }
0x95: {  	_ =	strace s4  }
0x96: {  	s4 =	sld [smem:$0x3FFD];
	_ =	sdelay $0x3  }
0x97: {  	_ =	strace s4  }
0x98: {  	_ =	strace $0x8FFFFFFF  }
0x99: {  	s19 =	sld [smem:$0x3FDB];
	_ =	sdelay $0x1  }
0x9a: {  	s5 =	simm.s32 $_scs_section_size  }
0x9b: {  	s6 =	simm.s32 $_size__tile_overlayer_lowered;
	s7 =	simm.s32 $_tile_overlayer_lowered  }
0x9c: {  	s22 =	simm.s32 $0x1BFF;
	s21 =	sshll.u32 s7, $0x1;
	s4 =	sadd.s32 s5, s19  }
0x9d: {  	s8 =	simm.s32 $0x0;
	s20 =	sshll.u32 s6, $0x1;
	s6 =	sadd.s32 s21, s4  }
0x9e: {  	[timem:s8], [sflag:s22] =	dma.local [hbm:s6], s20  }
0x9f: {  	_ =	swait.ge [sflag:s22], s20  }
0xa0: {  	s5 =	ssub.s32 $0x0, s20;
	[sflag:s22] =	ssyncset.done $0x0  }
0xa1: {  	[sflag:s22] =	ssyncadd.s32 s5;
	_ =	sdelay $0x1  }
0xa2: {  	s23 =	simm.s32 $0x1B8B  }
0xa3: {  	_ =	swait.ge [sflag:s23], $0x1  }
0xa4: {  	[sflag:s23] =	ssyncset.done $0x0  }
0xa5: {  	s25 =	simm.s32 $0x1B8E;
	s24 =	sld [smem:$0x3FFE];
	[sflag:s23] =	ssyncadd.s32 $0xFFFFFFFF  }
0xa6: {  	s26 =	simm.s32 $execute0_lowered;
	[smem:$0x3FD2] =	sst s25  }
0xa7: {  	s6 =	sshll.u32 s26, $0x1;
	_ =	strace $0x80000046;
	[dreg:$0x1] =	wrdreg $0xFFFFFFFF  }
0xa8: {  	s28 =	simm.s32 $_size_execute0_lowered;
	s4 =	sadd.s32 s4, s6;
	[dreg:$0x0] =	wrdreg $0x0  }
0xa9: {  	s6 =	sshll.u32 s28, $0x1;
	[dreg:$0x2] =	wrdreg s4  }
0xaa: {  	[dreg:$0x3] =	wrdreg s6  }
0xab: {  	[dreg:$0x4] =	wrdreg $0xC0  }
0xac: {  	_ =	task [dreg:s8], $0x5FFFF  }
0xad: {  	[dreg:$0x1] =	wrdreg $0xFFFFFFFF  }
0xae: {  	[dreg:$0x0] =	wrdreg $0x60  }
0xaf: {  	[dreg:$0x2] =	wrdreg s24  }
0xb0: {  	[dreg:$0x3] =	wrdreg s2  }
0xb1: {  	[dreg:$0x4] =	wrdreg s18  }
0xb2: {  	[dreg:$0x5] =	wrdreg $0x9  }
0xb3: {  	_ =	task.clear_ibuf [dreg:s8], $0x6FFFF;
	_ =	strace $0x90000046  }
0xb4: {  	s29 =	simm.s32 $0x9;
	_ =	strace $0x80000048  }
0xb5: {  	_ =	swait.ge [sflag:s29], $0x1  }
0xb6: {  	[sflag:s29] =	ssyncadd.s32 $0xFFFFFFFF  }
0xb7: {  	_ =	strace $0x90000048  }
0xb8: {  	_ =	sfence  }
0xb9: {  	s30 =	sld [smem:$0x0];
	_ =	sdelay $0x2  }
0xba: {  	s31 =	sshll.u32 s1, $0xD;
	s1 =	sshrl.u32 s1, $0x2  }
0xbb: {  	s3 =	sand.u32 $0x4000, s31;
	s1 =	sadd.s32 s1, s30  }
0xbc: {  	s0 =	sor.u32 s3, s0;
	s1 =	sshll.u32 s1, $0x11  }
0xbd: {  	s0 =	sor.u32 s1, s0  }
0xbe: {  	s0 =	sadd.s32 $0x8F2B, s0  }
0xbf: {  	[sflag:s0] =	ssyncadd.remote.s32 $0x1  }
0xc0: {  	_ =	sfence.sel $0xFFFF  }
0xc1: {  	[dreg:$0x0] =	wrdreg $0xFFFFFFFF;
	(pc) =	sbr.abs _section_cstart, $3  }
0xc2: {  	[dreg:$0x1] =	wrdreg $0xFFFFFFFF  }
0xc3: {  	_ =	task.clear_ibuf [dreg:s8], $0x2FFFF;
	_ =	strace $0x9FFFFFFF  }
0xc4: {  	(tm) =	ssettm $0x7FFFFFFF  }
0xc5: {  	_ =	shalt  }
tec
execute0_lowered:
.L_overlay_start_1:
0x0: {  	(tag) =	ssettag $0x1  }
0x1: {  	s0 =	rddreg [dreg:$0x0]  }
0x2: {  	s2 =	rddreg [dreg:$0x2]  }
0x3: {  	s3 =	simm.s32 $0x0;
	s4 =	srdreg.scid;
	s1 =	stileid.u32  }
0x4: {  	s11 =	simm.s32 $0x80;
	s12 =	simm.s32 $0x2480;
	s13 =	simm.s32 $0x2580  }
0x5: {  	s14 =	simm.s32 $0x2400;
	s15 =	simm.s32 $0x6D80;
	s16 =	simm.s32 $0x1  }
0x6: {  	s17 =	simm.s32 $0x2;
	s5 =	sand.u32 $0x1, s4;
	s6 =	sshll.u32 s1, $0x1  }
0x7: {  	s18 =	simm.s32 $0x6580;
	[smem:$0x7FF] =	sst s3;
	s8 =	sor.u32 s5, s6  }
0x8: {  	s4 =	sadd.s32 $0xF45600, s0;
	s7 =	ssub.s32 $0x2, s5;
	s10 =	smul.u32 $0x480, s8  }
0x9: {  	s1 =	simm.s32 $0x0;
	_ =	strace $0x80000047;
	s9 =	sshrl.u32 s7, $0x1  }
0xa: {  	s5 =	sadd.s32 $0x3200, s0;
	s30 =	ssub.s32 s7, s9;
	s31 =	sadd.s32 s2, s10  }
0xb: {  	s6 =	sadd.s32 $0x93200, s0;
	s0 =	smax.u32 s30, $0x1;
	[dreg:$0x4] =	wrdreg s31  }
0xc: {  	s7 =	smul.u32 $0x2400, s8;
	s10 =	simm.s32 $0x3;
	[dreg:$0x5] =	wrdreg s0  }
.LBB2_1:
0xd: {  	[dreg:$0x6] =	wrdreg s1  }
0xe: {  	s0 =	rddreg [dreg:$0x4]  }
0xf: {  	[tilespmem:s3], [sflag:$0x3] =	stream.linear.gather [hbm4b:s0+s3], $0x2400, $0x38;
	[tilespmem:$0x6E00] =	vst v63  }
0x10: {  	_ =	swait.ge [sflag:s10], $0x2400  }
0x11: {  	[sflag:s10] =	ssyncset.done $0x0  }
0x12: {  	s20 =	simm.s32 $0x0;
	[sflag:s10] =	ssyncadd.s32 $0xFFFFDC00  }
.LBB2_2:
0x13: {  	s21 =	sshll.u32 s20, $0x7  }
0x14: {  	v0 =	vld [tilespmem:s21+$0x0];
	_ =	sdelay $0x4  }
0x15: {  	[tilespmem:$0x2400] =	vst v0;
	v1 =	vshrl.u32 v0, $0x3;
	v0 =	vshll.u32 v0, $0x4  }
0x16: {  	[tilespmem:$0x2480] =	vst v1;
	v0 =	vand.u32 $0x70, v0  }
0x17: {  	[tilespmem:$0x2500] =	vst v0  }
0x18: {  	v0 =	vld [tilespmem:s21+$0x10];
	_ =	sdelay $0x4  }
0x19: {  	[tilespmem:$0x2410] =	vst v0;
	v1 =	vshrl.u32 v0, $0x3;
	v0 =	vshll.u32 v0, $0x4  }
0x1a: {  	[tilespmem:$0x2490] =	vst v1;
	v0 =	vand.u32 $0x70, v0  }
0x1b: {  	[tilespmem:$0x2510] =	vst v0  }
0x1c: {  	v0 =	vld [tilespmem:s21+$0x20];
	_ =	sdelay $0x4  }
0x1d: {  	[tilespmem:$0x2420] =	vst v0;
	v1 =	vshrl.u32 v0, $0x3;
	v0 =	vshll.u32 v0, $0x4  }
0x1e: {  	[tilespmem:$0x24A0] =	vst v1;
	v0 =	vand.u32 $0x70, v0  }
0x1f: {  	[tilespmem:$0x2520] =	vst v0  }
0x20: {  	v0 =	vld [tilespmem:s21+$0x30];
	_ =	sdelay $0x4  }
0x21: {  	[tilespmem:$0x2430] =	vst v0;
	v1 =	vshrl.u32 v0, $0x3;
	v0 =	vshll.u32 v0, $0x4  }
0x22: {  	[tilespmem:$0x24B0] =	vst v1;
	v0 =	vand.u32 $0x70, v0  }
0x23: {  	[tilespmem:$0x2530] =	vst v0  }
0x24: {  	v0 =	vld [tilespmem:s21+$0x40];
	_ =	sdelay $0x4  }
0x25: {  	[tilespmem:$0x2440] =	vst v0;
	v1 =	vshrl.u32 v0, $0x3;
	v0 =	vshll.u32 v0, $0x4  }
0x26: {  	[tilespmem:$0x24C0] =	vst v1;
	v0 =	vand.u32 $0x70, v0  }
0x27: {  	[tilespmem:$0x2540] =	vst v0  }
0x28: {  	v0 =	vld [tilespmem:s21+$0x50];
	_ =	sdelay $0x4  }
0x29: {  	[tilespmem:$0x2450] =	vst v0;
	v1 =	vshrl.u32 v0, $0x3;
	v0 =	vshll.u32 v0, $0x4  }
0x2a: {  	[tilespmem:$0x24D0] =	vst v1;
	v0 =	vand.u32 $0x70, v0  }
0x2b: {  	[tilespmem:$0x2550] =	vst v0  }
0x2c: {  	v0 =	vld [tilespmem:s21+$0x60];
	_ =	sdelay $0x4  }
0x2d: {  	[tilespmem:$0x2460] =	vst v0;
	v1 =	vshrl.u32 v0, $0x3;
	v0 =	vshll.u32 v0, $0x4  }
0x2e: {  	[tilespmem:$0x24E0] =	vst v1;
	v0 =	vand.u32 $0x70, v0  }
0x2f: {  	[tilespmem:$0x2560] =	vst v0  }
0x30: {  	v0 =	vld [tilespmem:s21+$0x70];
	_ =	sdelay $0x4  }
0x31: {  	[tilespmem:$0x2470] =	vst v0;
	v1 =	vshrl.u32 v0, $0x3;
	v0 =	vshll.u32 v0, $0x4  }
0x32: {  	[tilespmem:$0x24F0] =	vst v1;
	v0 =	vand.u32 $0x70, v0  }
0x33: {  	[tilespmem:$0x2570] =	vst v0  }
0x34: {  	[tilespmem:s13], [sflag:$0x1] =	stream.indirect.gather [hbm4b:s4+s11], $0x80, s12, s11, $0xb8;
	[tilespmem:$0x6E00] =	vst v63  }
0x35: {  	s0 =	rddreg [dreg:$0x1]  }
0x36: {  	[tilespmem:s15], [sflag:$0x2] =	stream.indirect.gather [hbm4b:s0+s11], $0x1, s14, s11, $0xb8;
	[tilespmem:$0x6E00] =	vst v63  }
0x37: {  	_ =	swait.ge [sflag:s16], $0x4000  }
0x38: {  	[sflag:s16] =	ssyncset.done $0x0  }
0x39: {  	s22 =	simm.s32 $0x2500;
	[sflag:s16] =	ssyncadd.s32 $0xFFFFC000  }
0x3a: {  	v0 =	vld [tilespmem:s22+$0x0];
	_ =	sdelay $0x4  }
0x3b: {  	(v2sf) =	vpush v0, $0x0;
	_ =	sdelay $0x5  }
0x3c: {  	(v2sf) =	vpush v0, $0x1;
	_ =	sdelay $0x5  }
0x3d: {  	(v2sf) =	vpush v0, $0x2;
	_ =	sdelay $0x2  }
0x3e: {  	s19 =	spop (v2sf)  }
0x3f: {  	s2 =	sand.u32 $0x7F, s19;
	s0 =	sshll.u32 s19, $0x2  }
0x40: {  	s0 =	sand.u32 $0xFFFFFE00, s0;
	s2 =	sshll.u32 s2, $0x2  }
0x41: {  	(v2sf) =	vpush v0, $0x3;
	s0 =	sor.u32 s2, s0  }
0x42: {  	s0 =	sshra.s32 s0, $0x2  }
0x43: {  	s0 =	sadd.s32 $0x0, s0  }
0x44: {  	s23 =	spop (v2sf);
	v1 =	vld [tilespmem:s0+$0x2580]  }
0x45: {  	s24 =	sand.u32 $0x7F, s23;
	s2 =	sshll.u32 s23, $0x2  }
0x46: {  	s2 =	sand.u32 $0xFFFFFE00, s2;
	s0 =	sshll.u32 s24, $0x2  }
0x47: {  	(v2sf) =	vpush v0, $0x4;
	s0 =	sor.u32 s0, s2  }
0x48: {  	s23 =	simm.s32 $0x6600;
	s0 =	sshra.s32 s0, $0x2  }
0x49: {  	s0 =	sadd.s32 $0x0, s0;
	[tilespmem:s23+$0xFFFFFF80] =	vst v1  }
0x4a: {  	s25 =	spop (v2sf);
	v1 =	vld [tilespmem:s0+$0x2600]  }
0x4b: {  	s26 =	sand.u32 $0x7F, s25;
	s2 =	sshll.u32 s25, $0x2  }
0x4c: {  	s2 =	sand.u32 $0xFFFFFE00, s2;
	s0 =	sshll.u32 s26, $0x2  }
0x4d: {  	(v2sf) =	vpush v0, $0x5;
	s0 =	sor.u32 s0, s2  }
0x4e: {  	s0 =	sshra.s32 s0, $0x2  }
0x4f: {  	s0 =	sadd.s32 $0x0, s0;
	[tilespmem:s23+$0xFFFFFF90] =	vst v1  }
0x50: {  	s28 =	spop (v2sf);
	v1 =	vld [tilespmem:s0+$0x2680]  }
0x51: {  	s29 =	sand.u32 $0x7F, s28;
	s2 =	sshll.u32 s28, $0x2  }
0x52: {  	s2 =	sand.u32 $0xFFFFFE00, s2;
	s0 =	sshll.u32 s29, $0x2  }
0x53: {  	(v2sf) =	vpush v0, $0x6;
	s0 =	sor.u32 s0, s2  }
0x54: {  	s0 =	sshra.s32 s0, $0x2  }
0x55: {  	s0 =	sadd.s32 $0x0, s0;
	[tilespmem:s23+$0xFFFFFFA0] =	vst v1  }
0x56: {  	s30 =	spop (v2sf);
	v1 =	vld [tilespmem:s0+$0x2700]  }
0x57: {  	s31 =	sand.u32 $0x7F, s30;
	s2 =	sshll.u32 s30, $0x2  }
0x58: {  	s2 =	sand.u32 $0xFFFFFE00, s2;
	s0 =	sshll.u32 s31, $0x2  }
0x59: {  	(v2sf) =	vpush v0, $0x7;
	s0 =	sor.u32 s0, s2  }
0x5a: {  	s0 =	sshra.s32 s0, $0x2  }
0x5b: {  	s0 =	sadd.s32 $0x0, s0;
	[tilespmem:s23+$0xFFFFFFB0] =	vst v1  }
0x5c: {  	s1 =	spop (v2sf);
	v1 =	vld [tilespmem:s0+$0x2780]  }
0x5d: {  	s8 =	sand.u32 $0x7F, s1;
	s2 =	sshll.u32 s1, $0x2  }
0x5e: {  	s2 =	sand.u32 $0xFFFFFE00, s2;
	s0 =	sshll.u32 s8, $0x2  }
0x5f: {  	(v2sf) =	vpush v0, $0x8;
	s0 =	sor.u32 s0, s2  }
0x60: {  	s0 =	sshra.s32 s0, $0x2  }
0x61: {  	s0 =	sadd.s32 $0x0, s0;
	[tilespmem:s23+$0xFFFFFFC0] =	vst v1  }
0x62: {  	s9 =	spop (v2sf);
	v1 =	vld [tilespmem:s0+$0x2800]  }
0x63: {  	s19 =	sand.u32 $0x7F, s9;
	s2 =	sshll.u32 s9, $0x2  }
0x64: {  	s2 =	sand.u32 $0xFFFFFE00, s2;
	s0 =	sshll.u32 s19, $0x2  }
0x65: {  	(v2sf) =	vpush v0, $0x9;
	s0 =	sor.u32 s0, s2  }
0x66: {  	s0 =	sshra.s32 s0, $0x2  }
0x67: {  	s0 =	sadd.s32 $0x0, s0;
	[tilespmem:s23+$0xFFFFFFD0] =	vst v1  }
0x68: {  	s24 =	spop (v2sf);
	v1 =	vld [tilespmem:s0+$0x2880]  }
0x69: {  	s25 =	sand.u32 $0x7F, s24;
	s2 =	sshll.u32 s24, $0x2  }
0x6a: {  	s2 =	sand.u32 $0xFFFFFE00, s2;
	s0 =	sshll.u32 s25, $0x2  }
0x6b: {  	(v2sf) =	vpush v0, $0xA;
	s0 =	sor.u32 s0, s2  }
0x6c: {  	s0 =	sshra.s32 s0, $0x2  }
0x6d: {  	s0 =	sadd.s32 $0x0, s0;
	[tilespmem:s23+$0xFFFFFFE0] =	vst v1  }
0x6e: {  	s26 =	spop (v2sf);
	v1 =	vld [tilespmem:s0+$0x2900]  }
0x6f: {  	s28 =	sand.u32 $0x7F, s26;
	s2 =	sshll.u32 s26, $0x2  }
0x70: {  	s2 =	sand.u32 $0xFFFFFE00, s2;
	s0 =	sshll.u32 s28, $0x2  }
0x71: {  	(v2sf) =	vpush v0, $0xB;
	s0 =	sor.u32 s0, s2  }
0x72: {  	s0 =	sshra.s32 s0, $0x2  }
0x73: {  	s0 =	sadd.s32 $0x0, s0;
	[tilespmem:s23+$0xFFFFFFF0] =	vst v1  }
0x74: {  	s29 =	spop (v2sf);
	v1 =	vld [tilespmem:s0+$0x2980]  }
0x75: {  	s30 =	sand.u32 $0x7F, s29;
	s2 =	sshll.u32 s29, $0x2  }
0x76: {  	s2 =	sand.u32 $0xFFFFFE00, s2;
	s0 =	sshll.u32 s30, $0x2  }
0x77: {  	(v2sf) =	vpush v0, $0xC;
	s0 =	sor.u32 s0, s2  }
0x78: {  	s0 =	sshra.s32 s0, $0x2  }
0x79: {  	s0 =	sadd.s32 $0x0, s0;
	[tilespmem:s23+$0x0] =	vst v1  }
0x7a: {  	s31 =	spop (v2sf);
	v1 =	vld [tilespmem:s0+$0x2A00]  }
0x7b: {  	s1 =	sand.u32 $0x7F, s31;
	s2 =	sshll.u32 s31, $0x2  }
0x7c: {  	s2 =	sand.u32 $0xFFFFFE00, s2;
	s0 =	sshll.u32 s1, $0x2  }
0x7d: {  	(v2sf) =	vpush v0, $0xD;
	s0 =	sor.u32 s0, s2  }
0x7e: {  	s0 =	sshra.s32 s0, $0x2  }
0x7f: {  	s0 =	sadd.s32 $0x0, s0;
	[tilespmem:s23+$0x10] =	vst v1  }
0x80: {  	s8 =	spop (v2sf);
	v1 =	vld [tilespmem:s0+$0x2A80]  }
0x81: {  	s9 =	sand.u32 $0x7F, s8;
	s2 =	sshll.u32 s8, $0x2  }
0x82: {  	s2 =	sand.u32 $0xFFFFFE00, s2;
	s0 =	sshll.u32 s9, $0x2  }
0x83: {  	(v2sf) =	vpush v0, $0xE;
	s0 =	sor.u32 s0, s2  }
0x84: {  	s0 =	sshra.s32 s0, $0x2  }
0x85: {  	s0 =	sadd.s32 $0x0, s0;
	[tilespmem:s23+$0x20] =	vst v1  }
0x86: {  	s19 =	spop (v2sf);
	v1 =	vld [tilespmem:s0+$0x2B00]  }
0x87: {  	s24 =	sand.u32 $0x7F, s19;
	s2 =	sshll.u32 s19, $0x2  }
0x88: {  	s2 =	sand.u32 $0xFFFFFE00, s2;
	s0 =	sshll.u32 s24, $0x2  }
0x89: {  	(v2sf) =	vpush v0, $0xF;
	s0 =	sor.u32 s0, s2  }
0x8a: {  	s0 =	sshra.s32 s0, $0x2  }
0x8b: {  	s0 =	sadd.s32 $0x0, s0;
	[tilespmem:s23+$0x30] =	vst v1  }
0x8c: {  	s25 =	spop (v2sf);
	v0 =	vld [tilespmem:s0+$0x2B80]  }
0x8d: {  	s26 =	sand.u32 $0x7F, s25;
	s2 =	sshll.u32 s25, $0x2  }
0x8e: {  	s2 =	sand.u32 $0xFFFFFE00, s2;
	s0 =	sshll.u32 s26, $0x2  }
0x8f: {  	s0 =	sor.u32 s0, s2  }
0x90: {  	s0 =	sshra.s32 s0, $0x2  }
0x91: {  	s0 =	sadd.s32 $0x0, s0;
	[tilespmem:s23+$0x40] =	vst v0  }
0x92: {  	s28 =	spop (v2sf);
	v0 =	vld [tilespmem:s0+$0x2C00]  }
0x93: {  	s29 =	sand.u32 $0x7F, s28;
	s2 =	sshll.u32 s28, $0x2  }
0x94: {  	s2 =	sand.u32 $0xFFFFFE00, s2;
	s0 =	sshll.u32 s29, $0x2  }
0x95: {  	s0 =	sor.u32 s0, s2  }
0x96: {  	s0 =	sshra.s32 s0, $0x2  }
0x97: {  	s0 =	sadd.s32 $0x0, s0;
	[tilespmem:s23+$0x50] =	vst v0  }
0x98: {  	s30 =	spop (v2sf);
	v0 =	vld [tilespmem:s0+$0x2C80]  }
0x99: {  	s31 =	sand.u32 $0x7F, s30;
	s2 =	sshll.u32 s30, $0x2  }
0x9a: {  	s2 =	sand.u32 $0xFFFFFE00, s2;
	s0 =	sshll.u32 s31, $0x2  }
0x9b: {  	s0 =	sor.u32 s0, s2  }
0x9c: {  	s0 =	sshra.s32 s0, $0x2  }
0x9d: {  	s0 =	sadd.s32 $0x0, s0;
	[tilespmem:s23+$0x60] =	vst v0  }
0x9e: {  	s24 =	simm.s32 $0x2000;
	v0 =	vld [tilespmem:s0+$0x2D00]  }
.LBB2_3:
0x9f: {  	_ =	sdelay $0x3  }
0xa0: {  	p0 =	sne.s32 s24, $0xE000;
	s22 =	sadd.s32 $0x10, s22;
	[tilespmem:s23+$0x70] =	vst v0;
	s23 =	sadd.s32 $0x100, s23  }
0xa1: {  	s0 =	smov.u32 s24;
	s24 =	sadd.s32 $0x2000, s24;
	v0 =	vld [tilespmem:s22+$0x0];
	_ =	sdelay $0x4  }
0xa2: {  	(v2sf) =	vpush v0, $0x0  }
0xa3: {  	(v2sf) =	vpush v0, $0x1;
	_ =	sdelay $0x2  }
0xa4: {  	(v2sf) =	vpush v0, $0x2;
	_ =	sdelay $0x1  }
0xa5: {  	(v2sf) =	vpush v0, $0x3;
	_ =	sdelay $0x2  }
0xa6: {  	(v2sf) =	vpush v0, $0x4;
	_ =	sdelay $0x1  }
0xa7: {  	(v2sf) =	vpush v0, $0x5;
	_ =	sdelay $0x2  }
0xa8: {  	(v2sf) =	vpush v0, $0x6  }
0xa9: {  	s25 =	sshra.s32 s0, $0x2;
	s0 =	spop (v2sf)  }
0xaa: {  	s2 =	sand.u32 $0x7F, s0;
	s0 =	sshll.u32 s0, $0x2;
	s8 =	spop (v2sf)  }
0xab: {  	s0 =	sand.u32 $0xFFFFFE00, s0;
	s2 =	sshll.u32 s2, $0x2;
	s26 =	sand.u32 $0x7F, s8  }
0xac: {  	s0 =	sor.u32 s2, s0;
	s2 =	sshll.u32 s8, $0x2;
	s8 =	sshll.u32 s26, $0x2;
	(v2sf) =	vpush v0, $0x7  }
0xad: {  	s0 =	sshra.s32 s0, $0x2;
	s2 =	sand.u32 $0xFFFFFE00, s2;
	s26 =	spop (v2sf)  }
0xae: {  	s0 =	sadd.s32 s25, s0;
	s2 =	sor.u32 s8, s2;
	s8 =	sand.u32 $0x7F, s26;
	(v2sf) =	vpush v0, $0x8  }
0xaf: {  	v1 =	vld [tilespmem:s0+$0x2580];
	s0 =	sshll.u32 s26, $0x2;
	s26 =	spop (v2sf)  }
0xb0: {  	s8 =	sshll.u32 s8, $0x2;
	s0 =	sand.u32 $0xFFFFFE00, s0;
	s28 =	sand.u32 $0x7F, s26  }
0xb1: {  	s0 =	sor.u32 s8, s0;
	s8 =	sshll.u32 s26, $0x2;
	s26 =	sshll.u32 s28, $0x2  }
0xb2: {  	s28 =	sshra.s32 s0, $0x2;
	s0 =	sand.u32 $0xFFFFFE00, s8;
	s8 =	spop (v2sf);
	(v2sf) =	vpush v0, $0x9  }
0xb3: {  	s2 =	sshra.s32 s2, $0x2;
	s29 =	sor.u32 s26, s0;
	s0 =	sand.u32 $0x7F, s8  }
0xb4: {  	s2 =	sadd.s32 s25, s2;
	s8 =	sshll.u32 s8, $0x2;
	[tilespmem:s23+$0xFFFFFF80] =	vst v1;
	s26 =	spop (v2sf)  }
0xb5: {  	s0 =	sshll.u32 s0, $0x2;
	v1 =	vld [tilespmem:s2+$0x2600];
	s2 =	sand.u32 $0xFFFFFE00, s8;
	s8 =	sand.u32 $0x7F, s26;
	(v2sf) =	vpush v0, $0xA  }
0xb6: {  	s0 =	sor.u32 s0, s2;
	s2 =	sshll.u32 s26, $0x2;
	s8 =	sshll.u32 s8, $0x2  }
0xb7: {  	s0 =	sshra.s32 s0, $0x2;
	s2 =	sand.u32 $0xFFFFFE00, s2;
	s26 =	spop (v2sf)  }
0xb8: {  	s2 =	sor.u32 s8, s2;
	s8 =	sand.u32 $0x7F, s26;
	s26 =	sshll.u32 s26, $0x2;
	(v2sf) =	vpush v0, $0xB  }
0xb9: {  	s2 =	sshra.s32 s2, $0x2;
	s26 =	sand.u32 $0xFFFFFE00, s26;
	s8 =	sshll.u32 s8, $0x2  }
0xba: {  	s28 =	sadd.s32 s25, s28;
	[tilespmem:s23+$0xFFFFFF90] =	vst v1;
	s31 =	sadd.s32 s25, s2;
	s2 =	sor.u32 s8, s26  }
0xbb: {  	v1 =	vld [tilespmem:s28+$0x2680];
	s2 =	sshra.s32 s2, $0x2;
	s8 =	spop (v2sf);
	(v2sf) =	vpush v0, $0xC  }
0xbc: {  	s26 =	sadd.s32 s25, s2;
	s2 =	sand.u32 $0x7F, s8;
	s8 =	sshll.u32 s8, $0x2  }
0xbd: {  	s8 =	sand.u32 $0xFFFFFE00, s8;
	s2 =	sshll.u32 s2, $0x2;
	s28 =	spop (v2sf)  }
0xbe: {  	s2 =	sor.u32 s2, s8;
	s8 =	sand.u32 $0x7F, s28;
	s28 =	sshll.u32 s28, $0x2;
	(v2sf) =	vpush v0, $0xD  }
0xbf: {  	s29 =	sshra.s32 s29, $0x2;
	s2 =	sshra.s32 s2, $0x2;
	s30 =	sand.u32 $0xFFFFFE00, s28  }
0xc0: {  	s29 =	sadd.s32 s25, s29;
	[tilespmem:s23+$0xFFFFFFA0] =	vst v1;
	s28 =	sadd.s32 s25, s2;
	s2 =	sshll.u32 s8, $0x2  }
0xc1: {  	v1 =	vld [tilespmem:s29+$0x2700];
	s2 =	sor.u32 s2, s30;
	s8 =	spop (v2sf);
	(v2sf) =	vpush v0, $0xE  }
0xc2: {  	s2 =	sshra.s32 s2, $0x2;
	s30 =	sand.u32 $0x7F, s8;
	s8 =	sshll.u32 s8, $0x2  }
0xc3: {  	s29 =	sadd.s32 s25, s2;
	s2 =	sand.u32 $0xFFFFFE00, s8;
	s8 =	sshll.u32 s30, $0x2  }
0xc4: {  	s2 =	sor.u32 s8, s2;
	s8 =	spop (v2sf);
	(v2sf) =	vpush v0, $0xF  }
0xc5: {  	s2 =	sshra.s32 s2, $0x2;
	s9 =	sand.u32 $0x7F, s8;
	s8 =	sshll.u32 s8, $0x2  }
0xc6: {  	s0 =	sadd.s32 s25, s0;
	[tilespmem:s23+$0xFFFFFFB0] =	vst v1;
	s30 =	sadd.s32 s25, s2;
	s2 =	sand.u32 $0xFFFFFE00, s8  }
0xc7: {  	v0 =	vld [tilespmem:s0+$0x2780];
	s0 =	sshll.u32 s9, $0x2;
	s8 =	spop (v2sf)  }
0xc8: {  	s0 =	sor.u32 s0, s2;
	s2 =	sand.u32 $0x7F, s8;
	s8 =	sshll.u32 s8, $0x2  }
0xc9: {  	s0 =	sshra.s32 s0, $0x2;
	s8 =	sand.u32 $0xFFFFFE00, s8;
	s2 =	sshll.u32 s2, $0x2  }
0xca: {  	s0 =	sadd.s32 s25, s0;
	s2 =	sor.u32 s2, s8;
	s8 =	spop (v2sf)  }
0xcb: {  	s2 =	sshra.s32 s2, $0x2;
	s9 =	sand.u32 $0x7F, s8;
	s8 =	sshll.u32 s8, $0x2  }
0xcc: {  	[tilespmem:s23+$0xFFFFFFC0] =	vst v0;
	s2 =	sadd.s32 s25, s2;
	s8 =	sand.u32 $0xFFFFFE00, s8;
	s9 =	sshll.u32 s9, $0x2  }
0xcd: {  	v0 =	vld [tilespmem:s31+$0x2800];
	s8 =	sor.u32 s9, s8;
	s9 =	spop (v2sf)  }
0xce: {  	s8 =	sshra.s32 s8, $0x2;
	s19 =	sand.u32 $0x7F, s9;
	s9 =	sshll.u32 s9, $0x2  }
0xcf: {  	s31 =	sadd.s32 s25, s8;
	s8 =	sand.u32 $0xFFFFFE00, s9;
	s9 =	sshll.u32 s19, $0x2  }
0xd0: {  	s8 =	sor.u32 s9, s8;
	s9 =	spop (v2sf)  }
0xd1: {  	s8 =	sshra.s32 s8, $0x2;
	s19 =	sand.u32 $0x7F, s9;
	s9 =	sshll.u32 s9, $0x2  }
0xd2: {  	[tilespmem:s23+$0xFFFFFFD0] =	vst v0;
	s8 =	sadd.s32 s25, s8;
	s9 =	sand.u32 $0xFFFFFE00, s9;
	s19 =	sshll.u32 s19, $0x2  }
0xd3: {  	v0 =	vld [tilespmem:s26+$0x2880];
	s9 =	sor.u32 s19, s9;
	s19 =	spop (v2sf)  }
0xd4: {  	s9 =	sshra.s32 s9, $0x2;
	s1 =	sand.u32 $0x7F, s19;
	s19 =	sshll.u32 s19, $0x2  }
0xd5: {  	s26 =	sadd.s32 s25, s9;
	s9 =	sand.u32 $0xFFFFFE00, s19;
	s1 =	sshll.u32 s1, $0x2  }
0xd6: {  	s1 =	sor.u32 s1, s9  }
0xd7: {  	s1 =	sshra.s32 s1, $0x2  }
0xd8: {  	[tilespmem:s23+$0xFFFFFFE0] =	vst v0;
	s25 =	sadd.s32 s25, s1  }
0xd9: {  	v0 =	vld [tilespmem:s28+$0x2900];
	_ =	sdelay $0x4  }
0xda: {  	[tilespmem:s23+$0xFFFFFFF0] =	vst v0  }
0xdb: {  	v0 =	vld [tilespmem:s29+$0x2980];
	_ =	sdelay $0x4  }
0xdc: {  	[tilespmem:s23+$0x0] =	vst v0  }
0xdd: {  	v0 =	vld [tilespmem:s30+$0x2A00];
	_ =	sdelay $0x4  }
0xde: {  	[tilespmem:s23+$0x10] =	vst v0  }
0xdf: {  	v0 =	vld [tilespmem:s0+$0x2A80];
	_ =	sdelay $0x4  }
0xe0: {  	[tilespmem:s23+$0x20] =	vst v0  }
0xe1: {  	v0 =	vld [tilespmem:s2+$0x2B00];
	_ =	sdelay $0x4  }
0xe2: {  	[tilespmem:s23+$0x30] =	vst v0  }
0xe3: {  	v0 =	vld [tilespmem:s31+$0x2B80];
	_ =	sdelay $0x4  }
0xe4: {  	[tilespmem:s23+$0x40] =	vst v0  }
0xe5: {  	v0 =	vld [tilespmem:s8+$0x2C00];
	_ =	sdelay $0x4  }
0xe6: {  	[tilespmem:s23+$0x50] =	vst v0  }
0xe7: {  	v0 =	vld [tilespmem:s26+$0x2C80];
	_ =	sdelay $0x1  }
.Ltmp0:
0xe8: {  	(pc) =	sbr.rel @p0 .LBB2_3-.Ltmp0, $3  }
0xe9: {  	_ =	sdelay $0x1  }
0xea: {  	[tilespmem:s23+$0x60] =	vst v0  }
0xeb: {  	v0 =	vld [tilespmem:s25+$0x2D00]  }
0xec: {  	_ =	sdelay $0x3  }
0xed: {  	[tilespmem:s23+$0x70] =	vst v0  }
0xee: {  	s0 =	sadd.s32 s7, s21;
	_ =	swait.ge [sflag:s17], $0x80  }
0xef: {  	s1 =	sshll.u32 s0, $0x1;
	[sflag:s17] =	ssyncset.done $0x0  }
0xf0: {  	s1 =	sadd.s32 s5, s1;
	[sflag:s17] =	ssyncadd.s32 $0xFFFFFF80  }
0xf1: {  	[hbm4b:s1+s3] =	stream.linear.scatter [tilespmem:s18], [sflag:$0x3], $0x800, $0x38;
	[tilespmem:$0x6E00] =	vst v63  }
0xf2: {  	s20 =	sadd.s32 $0x1, s20;
	_ =	swait.ge [sflag:s10], $0x800  }
0xf3: {  	s0 =	sshrl.u32 s0, $0x3;
	p0 =	sne.s32 s20, $0x48;
	[sflag:s10] =	ssyncset.done $0x0  }
.Ltmp1:
0xf4: {  	s0 =	sadd.s32 s6, s0;
	[sflag:s10] =	ssyncadd.s32 $0xFFFFF800;
	(pc) =	sbr.rel @p0 .LBB2_2-.Ltmp1, $4  }
0xf5: {  	[hbm4b:s0+s3] =	stream.linear.scatter [tilespmem:s15], [sflag:$0x3], $0x80, $0x38;
	[tilespmem:$0x6E00] =	vst v63  }
0xf6: {  	_ =	swait.ge [sflag:s10], $0x80  }
0xf7: {  	[sflag:s10] =	ssyncset.done $0x0  }
0xf8: {  	[sflag:s10] =	ssyncadd.s32 $0xFFFFFF80  }
0xf9: {  	s1 =	rddreg [dreg:$0x6]  }
0xfa: {  	s0 =	rddreg [dreg:$0x5];
	s1 =	sadd.s32 $0x1, s1  }
0xfb: {  	p0 =	sne.s32 s1, s0  }
.Ltmp2:
0xfc: {  	_ = 	snop;
	(pc) =	sbr.rel @p0 .LBB2_1-.Ltmp2, $1  }
0xfd: {  	_ =	sdelay $0x3  }
0xfe: {  	_ =	sfence.sel $0x180000  }
0xff: {  	[bflag:$0x0] =	sbarrier.arrive $0xFFFF  }
0x100: {  	_ =	strace $0x90000047  }
0x101: {  	s0 =	stileid.u32;
	[bflag:$0x2] =	sbarrier.arrive $0xFFFF  }
0x102: {  	p0 =	sne.s32 s0, $0x0;
	s0 =	rddreg [dreg:$0x3]  }
0x103: {  	s0 =	sadd.s32 @!p0 $0x100000, s0  }
0x104: {  	[sflag:s0] =	ssyncadd.tile.s32 @!p0 $0x1;
	_ =	shalt  }
.Lfunc_end2:
_tile_overlayer_lowered:
.L_overlay_start_2:
0x105: {  	(tag) =	ssettag $0x2  }
0x106: {  	s0 =	rddreg [dreg:$0x0];
	s2 =	stileid.u32  }
0x107: {  	s1 =	rddreg [dreg:$0x1];
	p0 =	sne.s32 s2, $0x0  }
0x108: {  	s3 =	rddreg [dreg:$0x2];
	[bflag:$0x3] =	sbarrier.arrive $0xFFFF;
	s2 =	simm.s32 @!p0 $0x1C03  }
0x109: {  	[timem:s3], [sflag:s2] =	dma.local @!p0 [hbm:s0], s1  }
0x10a: {  	s0 =	simm.s32 @!p0 $0x3  }
0x10b: {  	_ =	swait.ge @!p0 [sflag:s0], s1  }
0x10c: {  	s1 =	ssub.s32 @!p0 $0x0, s1;
	[sflag:s0] =	ssyncset.done @!p0 $0x0  }
0x10d: {  	[sflag:s0] =	ssyncadd.s32 @!p0 s1  }
0x10e: {  	[bflag:$0x3] =	sbarrier.arrive $0xFFFF  }
0x10f: {  	_ =	shalt  }

</sc_bundles>
